<compile_context>
chip_gen: v7x
topology: tpu7x:2x2x1
jax: 0.10.2.dev20260603
libtpu: 0.0.44.dev20260713+nightly
codegen_flags: <defaults>
</compile_context>

<pallas_src>
import jax
import jax.numpy as jnp
from jax import lax
from jax.experimental import pallas as pl
from jax.experimental.pallas import tpu as pltpu
from jax.experimental.pallas import tpu_sc as plsc

N = 10000
NP = 10240
E = 320000
D = 128
NC = 2
NS = 16
L = 16
NW = NC * NS
EPW = E // NW
CH = 80
NCH = EPW // CH
RPA = NP // NS
RB = 1024

_MESH = dict(core_axis_name="c", subcore_axis_name="s")



def _deg_body(dst_hbm, ones_hbm, zeros_hbm, out_hbm, buf, iv0, iv1, hist_sh,
              semA0, semA1):
    c = lax.axis_index("c")
    s = lax.axis_index("s")
    wid = s * NC + c
    base = wid * EPW

    def start_iv(j, iv, sem):
        pltpu.make_async_copy(dst_hbm.at[pl.ds(base + j * CH, CH)], iv,
                              sem).start()

    def wait_iv(j, iv, sem):
        pltpu.make_async_copy(dst_hbm.at[pl.ds(base + j * CH, CH)], iv,
                              sem).wait()

    pltpu.sync_copy(zeros_hbm, buf)
    for q in range(RPA // CH):
        pltpu.sync_copy(buf, hist_sh.at[pl.ds(s * RPA + q * CH, CH)])
    pltpu.sync_copy(ones_hbm, buf)
    plsc.subcore_barrier()

    start_iv(0, iv0, semA0)

    def step(g, carry):
        j0 = 2 * g
        start_iv(j0 + 1, iv1, semA1)
        wait_iv(j0, iv0, semA0)
        pltpu.sync_copy(buf, hist_sh.at[iv0], add=True)
        start_iv(j0 + 2, iv0, semA0)
        wait_iv(j0 + 1, iv1, semA1)
        pltpu.sync_copy(buf, hist_sh.at[iv1], add=True)
        return carry
    lax.fori_loop(0, (NCH - 1) // 2, step, 0)
    wait_iv(NCH - 1, iv0, semA0)
    pltpu.sync_copy(buf, hist_sh.at[iv0], add=True)
    plsc.subcore_barrier()
    pltpu.sync_copy(hist_sh.at[pl.ds(s * RPA, RPA)],
                    out_hbm.at[pl.ds(c * NP + s * RPA, RPA)])


def _degrees(dst_flat, ones2d, zeros2d):
    f = pl.kernel(
        _deg_body,
        out_type=jax.ShapeDtypeStruct((NC * NP, D), jnp.float32),
        mesh=plsc.VectorSubcoreMesh(**_MESH),
        scratch_types=[
            pltpu.VMEM((CH, D), jnp.float32),
            pltpu.VMEM((CH,), jnp.int32),
            pltpu.VMEM((CH,), jnp.int32),
            pltpu.VMEM_SHARED((NP, D), jnp.float32),
            pltpu.SemaphoreType.DMA,
            pltpu.SemaphoreType.DMA,
        ],
    )
    return f(dst_flat, ones2d, zeros2d)



RBB = 1000


def _norm_body(hists_ref, feat_ref, h_ref, norm_ref):
    i = pl.program_id(0)
    blk = hists_ref[...]
    deg = blk[0, :, 0] + blk[1, :, 0]
    nrm = lax.rsqrt(jnp.maximum(deg, 1.0))
    h_ref[...] = feat_ref[...] * nrm[:, None]
    norm_ref[...] = nrm[:, None]


def _prenorm(hists, feat):
    return pl.pallas_call(
        _norm_body,
        grid=(N // RBB,),
        in_specs=[
            pl.BlockSpec((NC, RBB, D), lambda i: (0, i, 0)),
            pl.BlockSpec((RBB, D), lambda i: (i, 0)),
        ],
        out_specs=[
            pl.BlockSpec((RBB, D), lambda i: (i, 0)),
            pl.BlockSpec((RBB, 1), lambda i: (i, 0)),
        ],
        out_shape=[
            jax.ShapeDtypeStruct((N, D), jnp.float32),
            jax.ShapeDtypeStruct((N, 1), jnp.float32),
        ],
    )(hists, feat)



def _agg_body(h_hbm, src_hbm, dst_hbm, zeros_hbm, out_hbm, src_v, iv0, iv1,
              buf0, buf1, agg_sh, semA0, semA1, semG0, semG1):
    c = lax.axis_index("c")
    s = lax.axis_index("s")
    wid = s * NC + c
    base = wid * EPW

    def gather(j, buf, sem):
        return pltpu.make_async_copy(
            h_hbm.at[src_v.at[pl.ds(j * CH, CH)]], buf, sem)

    def start_iv(j, iv, sem):
        pltpu.make_async_copy(dst_hbm.at[pl.ds(base + j * CH, CH)], iv,
                              sem).start()

    def wait_iv(j, iv, sem):
        pltpu.make_async_copy(dst_hbm.at[pl.ds(base + j * CH, CH)], iv,
                              sem).wait()

    pltpu.sync_copy(zeros_hbm, buf0)
    for q in range(RPA // CH):
        pltpu.sync_copy(buf0, agg_sh.at[pl.ds(s * RPA + q * CH, CH)])
    pltpu.sync_copy(src_hbm.at[pl.ds(base, EPW)], src_v)
    plsc.subcore_barrier()

    start_iv(0, iv0, semA0)
    gather(0, buf0, semG0).start()

    def step(g, carry):
        j0 = 2 * g
        start_iv(j0 + 1, iv1, semA1)
        gather(j0 + 1, buf1, semG1).start()
        gather(j0, buf0, semG0).wait()
        wait_iv(j0, iv0, semA0)
        pltpu.sync_copy(buf0, agg_sh.at[iv0], add=True)
        start_iv(j0 + 2, iv0, semA0)
        gather(j0 + 2, buf0, semG0).start()
        gather(j0 + 1, buf1, semG1).wait()
        wait_iv(j0 + 1, iv1, semA1)
        pltpu.sync_copy(buf1, agg_sh.at[iv1], add=True)
        return carry
    lax.fori_loop(0, (NCH - 1) // 2, step, 0)
    gather(NCH - 1, buf0, semG0).wait()
    wait_iv(NCH - 1, iv0, semA0)
    pltpu.sync_copy(buf0, agg_sh.at[iv0], add=True)
    plsc.subcore_barrier()
    pltpu.sync_copy(agg_sh.at[pl.ds(s * RPA, RPA)],
                    out_hbm.at[pl.ds(c * NP + s * RPA, RPA)])


def _aggregate(h, src_flat, dst_flat, zeros2d):
    f = pl.kernel(
        _agg_body,
        out_type=jax.ShapeDtypeStruct((NC * NP, D), jnp.float32),
        mesh=plsc.VectorSubcoreMesh(**_MESH),
        scratch_types=[
            pltpu.VMEM((EPW,), jnp.int32),
            pltpu.VMEM((CH,), jnp.int32),
            pltpu.VMEM((CH,), jnp.int32),
            pltpu.VMEM((CH, D), jnp.float32),
            pltpu.VMEM((CH, D), jnp.float32),
            pltpu.VMEM_SHARED((NP, D), jnp.float32),
            pltpu.SemaphoreType.DMA,
            pltpu.SemaphoreType.DMA,
            pltpu.SemaphoreType.DMA,
            pltpu.SemaphoreType.DMA,
        ],
    )
    return f(h, src_flat, dst_flat, zeros2d)



def _out_body(paggs_ref, norm_ref, w_ref, b_ref, out_ref):
    i = pl.program_id(0)
    blk = paggs_ref[...]
    agg = blk[0] + blk[1]
    hh = agg * norm_ref[...]
    out_ref[...] = lax.dot_general(
        hh, w_ref[...], (((1,), (1,)), ((), ())),
        preferred_element_type=jnp.float32) + b_ref[...]


def _project(paggs, norm, W, b2):
    return pl.pallas_call(
        _out_body,
        grid=(N // RBB,),
        in_specs=[
            pl.BlockSpec((NC, RBB, D), lambda i: (0, i, 0)),
            pl.BlockSpec((RBB, 1), lambda i: (i, 0)),
            pl.BlockSpec((D, D), lambda i: (0, 0)),
            pl.BlockSpec((1, D), lambda i: (0, 0)),
        ],
        out_specs=pl.BlockSpec((RBB, D), lambda i: (i, 0)),
        out_shape=jax.ShapeDtypeStruct((N, D), jnp.float32),
    )(paggs, norm, W, b2)


def kernel(feat, edge_index, W, b):
    ei = edge_index.astype(jnp.int32)
    src_flat = ei[0]
    dst_flat = ei[1]
    ones2d = jnp.ones((CH, D), jnp.float32)
    zeros2d = jnp.zeros((CH, D), jnp.float32)
    hists = _degrees(dst_flat, ones2d, zeros2d)
    h, norm = _prenorm(hists.reshape(NC, NP, D), feat)
    paggs = _aggregate(h, src_flat, dst_flat, zeros2d)
    return _project(paggs.reshape(NC, NP, D), norm, W, b.reshape(1, D))

# --- scband reference (transcript-rebuilt; emitter-appended) ---
"""Pipeline reference for scband-multi-scale-gcnconv-11158325035410 (READ-ONLY COPY).

The authoritative reference and input builder live on the scoring server;
editing this copy changes nothing except your own understanding.
"""

import jax, jax.numpy as jnp
import numpy as np

N_NODES = 10000
N_EDGES = 320000
D_IN = 128
D_OUT = 128


def setup_inputs(seed: int = 0) -> dict:
    key = jax.random.key(seed)
    k1, k2, k3, k4 = jax.random.split(key, 4)
    feat = jax.random.normal(k1, (N_NODES, D_IN), dtype=jnp.float32)
    edge_index = jax.random.randint(k2, (2, N_EDGES), 0, N_NODES, dtype=jnp.int64)
    # Linear layer params (PyTorch nn.Linear: y = x @ W.T + b)
    bound = 1.0 / np.sqrt(D_IN)
    W = jax.random.uniform(k3, (D_OUT, D_IN), minval=-bound, maxval=bound, dtype=jnp.float32)
    b = jax.random.uniform(k4, (D_OUT,), minval=-bound, maxval=bound, dtype=jnp.float32)
    return {"feat": feat, "edge_index": edge_index, "W": W, "b": b}


def reference(feat, edge_index, W, b):
    n = feat.shape[0]
    src = edge_index[0]
    dst = edge_index[1]
    # in-degrees (messages arrive at dst), clamped at 1
    degs = jnp.bincount(dst, length=n).astype(jnp.float32)
    degs = jnp.clip(degs, 1.0, None)
    norm = jnp.power(degs, -0.5)[:, None]
    # pre-normalize source features
    h = feat * norm
    # message passing: copy_u -> sum at dst (scatter-add / segment_sum)
    msgs = jnp.take(h, src, axis=0)
    agg = jnp.zeros((n, feat.shape[1]), dtype=feat.dtype).at[dst].add(msgs)
    # post-normalize by dst degree
    h_out = agg * norm
    # linear projection
    return h_out @ W.T + b

if __name__ == "__main__":
    import jax
    _d = setup_inputs()
    print(jax.jit(kernel)(*tuple(_d.values())))

</pallas_src>

<mosaic_0001>
#map = affine_map<(d0, d1) -> (0, 0)>
#map1 = affine_map<(d0, d1) -> (0)>
module attributes {stable_mosaic.version = 14 : i64} {
  func.func @_agg_body(%arg0: i32, %arg1: i32, %arg2: memref<10000x128xf32, #tpu.memory_space<hbm>>, %arg3: memref<320000xi32, #tpu.memory_space<hbm>>, %arg4: memref<320000xi32, #tpu.memory_space<hbm>>, %arg5: memref<80x128xf32, #tpu.memory_space<hbm>>, %arg6: memref<20480x128xf32, #tpu.memory_space<hbm>>, %arg7: memref<10000xi32, #tpu.memory_space<vmem>>, %arg8: memref<80xi32, #tpu.memory_space<vmem>>, %arg9: memref<80xi32, #tpu.memory_space<vmem>>, %arg10: memref<80x128xf32, #tpu.memory_space<vmem>>, %arg11: memref<80x128xf32, #tpu.memory_space<vmem>>, %arg12: memref<10240x128xf32, #tpu.memory_space<vmem_shared>>, %arg13: memref<!tpu.dma_semaphore, #tpu.memory_space<semaphore_mem>>, %arg14: memref<!tpu.dma_semaphore, #tpu.memory_space<semaphore_mem>>, %arg15: memref<!tpu.dma_semaphore, #tpu.memory_space<semaphore_mem>>, %arg16: memref<!tpu.dma_semaphore, #tpu.memory_space<semaphore_mem>>) attributes {dimension_semantics = [#tpu.dimension_semantics<core_parallel>, #tpu.dimension_semantics<subcore_parallel>], iteration_bounds = array<i64: 2, 16>, scalar_prefetch = 0 : i64, scratch_operands = 10 : i64, tpu.core_type = #tpu.core_type<sc_vector_subcore>, window_params = [{transform_indices = #map}, {transform_indices = #map1}, {transform_indices = #map1}, {transform_indices = #map}, {transform_indices = #map}]} {
    %mul3A = arith.constant 2 : i32
    %mul3A_0 = arith.muli %arg1, %mul3A : i32
    %add3A = arith.addi %mul3A_0, %arg0 : i32
    %mul3A_1 = arith.constant 10000 : i32
    %mul3A_2 = arith.muli %add3A, %mul3A_1 : i32
    "tpu.region"() ({
      %run_scoped3A = tpu.sem_alloc : memref<!tpu.dma_semaphore, #tpu.memory_space<semaphore_mem>>
      tpu.enqueue_dma source(%arg5 : memref<80x128xf32, #tpu.memory_space<hbm>>) target(%arg10 : memref<80x128xf32, #tpu.memory_space<vmem>>) target_semaphore(%run_scoped3A : memref<!tpu.dma_semaphore, #tpu.memory_space<semaphore_mem>>)
      tpu.wait_dma2 semaphore(%run_scoped3A : memref<!tpu.dma_semaphore, #tpu.memory_space<semaphore_mem>>) src(%arg5 : memref<80x128xf32, #tpu.memory_space<hbm>>) dst(%arg10 : memref<80x128xf32, #tpu.memory_space<vmem>>)
      tpu.yield
    }) : () -> ()
    %mul3A_3 = arith.constant 640 : i32
    %mul3A_4 = arith.muli %arg1, %mul3A_3 : i32
    %add3A_5 = arith.constant 0 : i32
    %add3A_6 = arith.addi %mul3A_4, %add3A_5 : i32
    "tpu.region"() ({
      %run_scoped3A = tpu.sem_alloc : memref<!tpu.dma_semaphore, #tpu.memory_space<semaphore_mem>>
      %dma_start3A_64 = arith.constant 0 : i32
      %dma_start3A_65 = tpu.memref_slice %arg12[%add3A_6, %dma_start3A_64] : memref<10240x128xf32, #tpu.memory_space<vmem_shared>> -> memref<80x128xf32, #tpu.memory_space<vmem_shared>>
      %dma_start3A_66 = arith.constant 0 : i32
      %dma_start3A_67 = tpu.memref_slice %arg12[%add3A_6, %dma_start3A_66] : memref<10240x128xf32, #tpu.memory_space<vmem_shared>> -> memref<80x128xf32, #tpu.memory_space<vmem_shared>>
      tpu.enqueue_dma source(%arg10 : memref<80x128xf32, #tpu.memory_space<vmem>>) target(%dma_start3A_67 : memref<80x128xf32, #tpu.memory_space<vmem_shared>>) target_semaphore(%run_scoped3A : memref<!tpu.dma_semaphore, #tpu.memory_space<semaphore_mem>>)
      %dma_wait3A_68 = arith.constant 0 : i32
      %dma_wait3A_69 = tpu.memref_slice %arg12[%add3A_6, %dma_wait3A_68] : memref<10240x128xf32, #tpu.memory_space<vmem_shared>> -> memref<80x128xf32, #tpu.memory_space<vmem_shared>>
      %dma_wait3A_70 = arith.constant 0 : i32
      %dma_wait3A_71 = tpu.memref_slice %arg12[%add3A_6, %dma_wait3A_70] : memref<10240x128xf32, #tpu.memory_space<vmem_shared>> -> memref<80x128xf32, #tpu.memory_space<vmem_shared>>
      tpu.wait_dma2 semaphore(%run_scoped3A : memref<!tpu.dma_semaphore, #tpu.memory_space<semaphore_mem>>) src(%arg10 : memref<80x128xf32, #tpu.memory_space<vmem>>) dst(%dma_wait3A_71 : memref<80x128xf32, #tpu.memory_space<vmem_shared>>)
      tpu.yield
    }) : () -> ()
    %mul3A_7 = arith.constant 640 : i32
    %mul3A_8 = arith.muli %arg1, %mul3A_7 : i32
    %add3A_9 = arith.constant 80 : i32
    %add3A_10 = arith.addi %mul3A_8, %add3A_9 : i32
    "tpu.region"() ({
      %run_scoped3A = tpu.sem_alloc : memref<!tpu.dma_semaphore, #tpu.memory_space<semaphore_mem>>
      %dma_start3A_64 = arith.constant 0 : i32
      %dma_start3A_65 = tpu.memref_slice %arg12[%add3A_10, %dma_start3A_64] : memref<10240x128xf32, #tpu.memory_space<vmem_shared>> -> memref<80x128xf32, #tpu.memory_space<vmem_shared>>
      %dma_start3A_66 = arith.constant 0 : i32
      %dma_start3A_67 = tpu.memref_slice %arg12[%add3A_10, %dma_start3A_66] : memref<10240x128xf32, #tpu.memory_space<vmem_shared>> -> memref<80x128xf32, #tpu.memory_space<vmem_shared>>
      tpu.enqueue_dma source(%arg10 : memref<80x128xf32, #tpu.memory_space<vmem>>) target(%dma_start3A_67 : memref<80x128xf32, #tpu.memory_space<vmem_shared>>) target_semaphore(%run_scoped3A : memref<!tpu.dma_semaphore, #tpu.memory_space<semaphore_mem>>)
      %dma_wait3A_68 = arith.constant 0 : i32
      %dma_wait3A_69 = tpu.memref_slice %arg12[%add3A_10, %dma_wait3A_68] : memref<10240x128xf32, #tpu.memory_space<vmem_shared>> -> memref<80x128xf32, #tpu.memory_space<vmem_shared>>
      %dma_wait3A_70 = arith.constant 0 : i32
      %dma_wait3A_71 = tpu.memref_slice %arg12[%add3A_10, %dma_wait3A_70] : memref<10240x128xf32, #tpu.memory_space<vmem_shared>> -> memref<80x128xf32, #tpu.memory_space<vmem_shared>>
      tpu.wait_dma2 semaphore(%run_scoped3A : memref<!tpu.dma_semaphore, #tpu.memory_space<semaphore_mem>>) src(%arg10 : memref<80x128xf32, #tpu.memory_space<vmem>>) dst(%dma_wait3A_71 : memref<80x128xf32, #tpu.memory_space<vmem_shared>>)
      tpu.yield
    }) : () -> ()
    %mul3A_11 = arith.constant 640 : i32
    %mul3A_12 = arith.muli %arg1, %mul3A_11 : i32
    %add3A_13 = arith.constant 160 : i32
    %add3A_14 = arith.addi %mul3A_12, %add3A_13 : i32
    "tpu.region"() ({
      %run_scoped3A = tpu.sem_alloc : memref<!tpu.dma_semaphore, #tpu.memory_space<semaphore_mem>>
      %dma_start3A_64 = arith.constant 0 : i32
      %dma_start3A_65 = tpu.memref_slice %arg12[%add3A_14, %dma_start3A_64] : memref<10240x128xf32, #tpu.memory_space<vmem_shared>> -> memref<80x128xf32, #tpu.memory_space<vmem_shared>>
      %dma_start3A_66 = arith.constant 0 : i32
      %dma_start3A_67 = tpu.memref_slice %arg12[%add3A_14, %dma_start3A_66] : memref<10240x128xf32, #tpu.memory_space<vmem_shared>> -> memref<80x128xf32, #tpu.memory_space<vmem_shared>>
      tpu.enqueue_dma source(%arg10 : memref<80x128xf32, #tpu.memory_space<vmem>>) target(%dma_start3A_67 : memref<80x128xf32, #tpu.memory_space<vmem_shared>>) target_semaphore(%run_scoped3A : memref<!tpu.dma_semaphore, #tpu.memory_space<semaphore_mem>>)
      %dma_wait3A_68 = arith.constant 0 : i32
      %dma_wait3A_69 = tpu.memref_slice %arg12[%add3A_14, %dma_wait3A_68] : memref<10240x128xf32, #tpu.memory_space<vmem_shared>> -> memref<80x128xf32, #tpu.memory_space<vmem_shared>>
      %dma_wait3A_70 = arith.constant 0 : i32
      %dma_wait3A_71 = tpu.memref_slice %arg12[%add3A_14, %dma_wait3A_70] : memref<10240x128xf32, #tpu.memory_space<vmem_shared>> -> memref<80x128xf32, #tpu.memory_space<vmem_shared>>
      tpu.wait_dma2 semaphore(%run_scoped3A : memref<!tpu.dma_semaphore, #tpu.memory_space<semaphore_mem>>) src(%arg10 : memref<80x128xf32, #tpu.memory_space<vmem>>) dst(%dma_wait3A_71 : memref<80x128xf32, #tpu.memory_space<vmem_shared>>)
      tpu.yield
    }) : () -> ()
    %mul3A_15 = arith.constant 640 : i32
    %mul3A_16 = arith.muli %arg1, %mul3A_15 : i32
    %add3A_17 = arith.constant 240 : i32
    %add3A_18 = arith.addi %mul3A_16, %add3A_17 : i32
    "tpu.region"() ({
      %run_scoped3A = tpu.sem_alloc : memref<!tpu.dma_semaphore, #tpu.memory_space<semaphore_mem>>
      %dma_start3A_64 = arith.constant 0 : i32
      %dma_start3A_65 = tpu.memref_slice %arg12[%add3A_18, %dma_start3A_64] : memref<10240x128xf32, #tpu.memory_space<vmem_shared>> -> memref<80x128xf32, #tpu.memory_space<vmem_shared>>
      %dma_start3A_66 = arith.constant 0 : i32
      %dma_start3A_67 = tpu.memref_slice %arg12[%add3A_18, %dma_start3A_66] : memref<10240x128xf32, #tpu.memory_space<vmem_shared>> -> memref<80x128xf32, #tpu.memory_space<vmem_shared>>
      tpu.enqueue_dma source(%arg10 : memref<80x128xf32, #tpu.memory_space<vmem>>) target(%dma_start3A_67 : memref<80x128xf32, #tpu.memory_space<vmem_shared>>) target_semaphore(%run_scoped3A : memref<!tpu.dma_semaphore, #tpu.memory_space<semaphore_mem>>)
      %dma_wait3A_68 = arith.constant 0 : i32
      %dma_wait3A_69 = tpu.memref_slice %arg12[%add3A_18, %dma_wait3A_68] : memref<10240x128xf32, #tpu.memory_space<vmem_shared>> -> memref<80x128xf32, #tpu.memory_space<vmem_shared>>
      %dma_wait3A_70 = arith.constant 0 : i32
      %dma_wait3A_71 = tpu.memref_slice %arg12[%add3A_18, %dma_wait3A_70] : memref<10240x128xf32, #tpu.memory_space<vmem_shared>> -> memref<80x128xf32, #tpu.memory_space<vmem_shared>>
      tpu.wait_dma2 semaphore(%run_scoped3A : memref<!tpu.dma_semaphore, #tpu.memory_space<semaphore_mem>>) src(%arg10 : memref<80x128xf32, #tpu.memory_space<vmem>>) dst(%dma_wait3A_71 : memref<80x128xf32, #tpu.memory_space<vmem_shared>>)
      tpu.yield
    }) : () -> ()
    %mul3A_19 = arith.constant 640 : i32
    %mul3A_20 = arith.muli %arg1, %mul3A_19 : i32
    %add3A_21 = arith.constant 320 : i32
    %add3A_22 = arith.addi %mul3A_20, %add3A_21 : i32
    "tpu.region"() ({
      %run_scoped3A = tpu.sem_alloc : memref<!tpu.dma_semaphore, #tpu.memory_space<semaphore_mem>>
      %dma_start3A_64 = arith.constant 0 : i32
      %dma_start3A_65 = tpu.memref_slice %arg12[%add3A_22, %dma_start3A_64] : memref<10240x128xf32, #tpu.memory_space<vmem_shared>> -> memref<80x128xf32, #tpu.memory_space<vmem_shared>>
      %dma_start3A_66 = arith.constant 0 : i32
      %dma_start3A_67 = tpu.memref_slice %arg12[%add3A_22, %dma_start3A_66] : memref<10240x128xf32, #tpu.memory_space<vmem_shared>> -> memref<80x128xf32, #tpu.memory_space<vmem_shared>>
      tpu.enqueue_dma source(%arg10 : memref<80x128xf32, #tpu.memory_space<vmem>>) target(%dma_start3A_67 : memref<80x128xf32, #tpu.memory_space<vmem_shared>>) target_semaphore(%run_scoped3A : memref<!tpu.dma_semaphore, #tpu.memory_space<semaphore_mem>>)
      %dma_wait3A_68 = arith.constant 0 : i32
      %dma_wait3A_69 = tpu.memref_slice %arg12[%add3A_22, %dma_wait3A_68] : memref<10240x128xf32, #tpu.memory_space<vmem_shared>> -> memref<80x128xf32, #tpu.memory_space<vmem_shared>>
      %dma_wait3A_70 = arith.constant 0 : i32
      %dma_wait3A_71 = tpu.memref_slice %arg12[%add3A_22, %dma_wait3A_70] : memref<10240x128xf32, #tpu.memory_space<vmem_shared>> -> memref<80x128xf32, #tpu.memory_space<vmem_shared>>
      tpu.wait_dma2 semaphore(%run_scoped3A : memref<!tpu.dma_semaphore, #tpu.memory_space<semaphore_mem>>) src(%arg10 : memref<80x128xf32, #tpu.memory_space<vmem>>) dst(%dma_wait3A_71 : memref<80x128xf32, #tpu.memory_space<vmem_shared>>)
      tpu.yield
    }) : () -> ()
    %mul3A_23 = arith.constant 640 : i32
    %mul3A_24 = arith.muli %arg1, %mul3A_23 : i32
    %add3A_25 = arith.constant 400 : i32
    %add3A_26 = arith.addi %mul3A_24, %add3A_25 : i32
    "tpu.region"() ({
      %run_scoped3A = tpu.sem_alloc : memref<!tpu.dma_semaphore, #tpu.memory_space<semaphore_mem>>
      %dma_start3A_64 = arith.constant 0 : i32
      %dma_start3A_65 = tpu.memref_slice %arg12[%add3A_26, %dma_start3A_64] : memref<10240x128xf32, #tpu.memory_space<vmem_shared>> -> memref<80x128xf32, #tpu.memory_space<vmem_shared>>
      %dma_start3A_66 = arith.constant 0 : i32
      %dma_start3A_67 = tpu.memref_slice %arg12[%add3A_26, %dma_start3A_66] : memref<10240x128xf32, #tpu.memory_space<vmem_shared>> -> memref<80x128xf32, #tpu.memory_space<vmem_shared>>
      tpu.enqueue_dma source(%arg10 : memref<80x128xf32, #tpu.memory_space<vmem>>) target(%dma_start3A_67 : memref<80x128xf32, #tpu.memory_space<vmem_shared>>) target_semaphore(%run_scoped3A : memref<!tpu.dma_semaphore, #tpu.memory_space<semaphore_mem>>)
      %dma_wait3A_68 = arith.constant 0 : i32
      %dma_wait3A_69 = tpu.memref_slice %arg12[%add3A_26, %dma_wait3A_68] : memref<10240x128xf32, #tpu.memory_space<vmem_shared>> -> memref<80x128xf32, #tpu.memory_space<vmem_shared>>
      %dma_wait3A_70 = arith.constant 0 : i32
      %dma_wait3A_71 = tpu.memref_slice %arg12[%add3A_26, %dma_wait3A_70] : memref<10240x128xf32, #tpu.memory_space<vmem_shared>> -> memref<80x128xf32, #tpu.memory_space<vmem_shared>>
      tpu.wait_dma2 semaphore(%run_scoped3A : memref<!tpu.dma_semaphore, #tpu.memory_space<semaphore_mem>>) src(%arg10 : memref<80x128xf32, #tpu.memory_space<vmem>>) dst(%dma_wait3A_71 : memref<80x128xf32, #tpu.memory_space<vmem_shared>>)
      tpu.yield
    }) : () -> ()
    %mul3A_27 = arith.constant 640 : i32
    %mul3A_28 = arith.muli %arg1, %mul3A_27 : i32
    %add3A_29 = arith.constant 480 : i32
    %add3A_30 = arith.addi %mul3A_28, %add3A_29 : i32
    "tpu.region"() ({
      %run_scoped3A = tpu.sem_alloc : memref<!tpu.dma_semaphore, #tpu.memory_space<semaphore_mem>>
      %dma_start3A_64 = arith.constant 0 : i32
      %dma_start3A_65 = tpu.memref_slice %arg12[%add3A_30, %dma_start3A_64] : memref<10240x128xf32, #tpu.memory_space<vmem_shared>> -> memref<80x128xf32, #tpu.memory_space<vmem_shared>>
      %dma_start3A_66 = arith.constant 0 : i32
      %dma_start3A_67 = tpu.memref_slice %arg12[%add3A_30, %dma_start3A_66] : memref<10240x128xf32, #tpu.memory_space<vmem_shared>> -> memref<80x128xf32, #tpu.memory_space<vmem_shared>>
      tpu.enqueue_dma source(%arg10 : memref<80x128xf32, #tpu.memory_space<vmem>>) target(%dma_start3A_67 : memref<80x128xf32, #tpu.memory_space<vmem_shared>>) target_semaphore(%run_scoped3A : memref<!tpu.dma_semaphore, #tpu.memory_space<semaphore_mem>>)
      %dma_wait3A_68 = arith.constant 0 : i32
      %dma_wait3A_69 = tpu.memref_slice %arg12[%add3A_30, %dma_wait3A_68] : memref<10240x128xf32, #tpu.memory_space<vmem_shared>> -> memref<80x128xf32, #tpu.memory_space<vmem_shared>>
      %dma_wait3A_70 = arith.constant 0 : i32
      %dma_wait3A_71 = tpu.memref_slice %arg12[%add3A_30, %dma_wait3A_70] : memref<10240x128xf32, #tpu.memory_space<vmem_shared>> -> memref<80x128xf32, #tpu.memory_space<vmem_shared>>
      tpu.wait_dma2 semaphore(%run_scoped3A : memref<!tpu.dma_semaphore, #tpu.memory_space<semaphore_mem>>) src(%arg10 : memref<80x128xf32, #tpu.memory_space<vmem>>) dst(%dma_wait3A_71 : memref<80x128xf32, #tpu.memory_space<vmem_shared>>)
      tpu.yield
    }) : () -> ()
    %mul3A_31 = arith.constant 640 : i32
    %mul3A_32 = arith.muli %arg1, %mul3A_31 : i32
    %add3A_33 = arith.constant 560 : i32
    %add3A_34 = arith.addi %mul3A_32, %add3A_33 : i32
    "tpu.region"() ({
      %run_scoped3A = tpu.sem_alloc : memref<!tpu.dma_semaphore, #tpu.memory_space<semaphore_mem>>
      %dma_start3A_64 = arith.constant 0 : i32
      %dma_start3A_65 = tpu.memref_slice %arg12[%add3A_34, %dma_start3A_64] : memref<10240x128xf32, #tpu.memory_space<vmem_shared>> -> memref<80x128xf32, #tpu.memory_space<vmem_shared>>
      %dma_start3A_66 = arith.constant 0 : i32
      %dma_start3A_67 = tpu.memref_slice %arg12[%add3A_34, %dma_start3A_66] : memref<10240x128xf32, #tpu.memory_space<vmem_shared>> -> memref<80x128xf32, #tpu.memory_space<vmem_shared>>
      tpu.enqueue_dma source(%arg10 : memref<80x128xf32, #tpu.memory_space<vmem>>) target(%dma_start3A_67 : memref<80x128xf32, #tpu.memory_space<vmem_shared>>) target_semaphore(%run_scoped3A : memref<!tpu.dma_semaphore, #tpu.memory_space<semaphore_mem>>)
      %dma_wait3A_68 = arith.constant 0 : i32
      %dma_wait3A_69 = tpu.memref_slice %arg12[%add3A_34, %dma_wait3A_68] : memref<10240x128xf32, #tpu.memory_space<vmem_shared>> -> memref<80x128xf32, #tpu.memory_space<vmem_shared>>
      %dma_wait3A_70 = arith.constant 0 : i32
      %dma_wait3A_71 = tpu.memref_slice %arg12[%add3A_34, %dma_wait3A_70] : memref<10240x128xf32, #tpu.memory_space<vmem_shared>> -> memref<80x128xf32, #tpu.memory_space<vmem_shared>>
      tpu.wait_dma2 semaphore(%run_scoped3A : memref<!tpu.dma_semaphore, #tpu.memory_space<semaphore_mem>>) src(%arg10 : memref<80x128xf32, #tpu.memory_space<vmem>>) dst(%dma_wait3A_71 : memref<80x128xf32, #tpu.memory_space<vmem_shared>>)
      tpu.yield
    }) : () -> ()
    "tpu.region"() ({
      %run_scoped3A = tpu.sem_alloc : memref<!tpu.dma_semaphore, #tpu.memory_space<semaphore_mem>>
      %dma_start3A_64 = tpu.memref_slice %arg3[%mul3A_2] : memref<320000xi32, #tpu.memory_space<hbm>> -> memref<10000xi32, #tpu.memory_space<hbm>>
      %dma_start3A_65 = tpu.memref_slice %arg3[%mul3A_2] : memref<320000xi32, #tpu.memory_space<hbm>> -> memref<10000xi32, #tpu.memory_space<hbm>>
      tpu.enqueue_dma source(%dma_start3A_65 : memref<10000xi32, #tpu.memory_space<hbm>>) target(%arg7 : memref<10000xi32, #tpu.memory_space<vmem>>) target_semaphore(%run_scoped3A : memref<!tpu.dma_semaphore, #tpu.memory_space<semaphore_mem>>)
      %dma_wait3A_66 = tpu.memref_slice %arg3[%mul3A_2] : memref<320000xi32, #tpu.memory_space<hbm>> -> memref<10000xi32, #tpu.memory_space<hbm>>
      %dma_wait3A_67 = tpu.memref_slice %arg3[%mul3A_2] : memref<320000xi32, #tpu.memory_space<hbm>> -> memref<10000xi32, #tpu.memory_space<hbm>>
      tpu.wait_dma2 semaphore(%run_scoped3A : memref<!tpu.dma_semaphore, #tpu.memory_space<semaphore_mem>>) src(%dma_wait3A_67 : memref<10000xi32, #tpu.memory_space<hbm>>) dst(%arg7 : memref<10000xi32, #tpu.memory_space<vmem>>)
      tpu.yield
    }) : () -> ()
    %barrier3A = arith.constant 0 : index
    tpu.barrier barrier_id(%barrier3A)
    %add3A_35 = arith.constant 0 : i32
    %add3A_36 = arith.addi %mul3A_2, %add3A_35 : i32
    %dma_start3A = tpu.memref_slice %arg4[%add3A_36] : memref<320000xi32, #tpu.memory_space<hbm>> -> memref<80xi32, #tpu.memory_space<hbm>>
    %dma_start3A_37 = tpu.memref_slice %arg4[%add3A_36] : memref<320000xi32, #tpu.memory_space<hbm>> -> memref<80xi32, #tpu.memory_space<hbm>>
    tpu.enqueue_dma source(%dma_start3A_37 : memref<80xi32, #tpu.memory_space<hbm>>) target(%arg8 : memref<80xi32, #tpu.memory_space<vmem>>) target_semaphore(%arg13 : memref<!tpu.dma_semaphore, #tpu.memory_space<semaphore_mem>>)
    %dma_start3A_38 = arith.constant 0 : i32
    %dma_start3A_39 = tpu.memref_slice %arg7[%dma_start3A_38] : memref<10000xi32, #tpu.memory_space<vmem>> -> memref<80xi32, #tpu.memory_space<vmem>>
    %dma_start3A_40 = arith.constant 0 : i32
    %dma_start3A_41 = arith.constant 0 : i32
    %dma_start3A_42 = tpu.memref_slice %arg2[%dma_start3A_40, %dma_start3A_41] : memref<10000x128xf32, #tpu.memory_space<hbm>> -> memref<10000x128xf32, #tpu.memory_space<hbm>>
    tpu.enqueue_indirect_dma source(%dma_start3A_42 : memref<10000x128xf32, #tpu.memory_space<hbm>>) target(%arg10 : memref<80x128xf32, #tpu.memory_space<vmem>>) offsets(%dma_start3A_39 : memref<80xi32, #tpu.memory_space<vmem>>) semaphore(%arg15 : memref<!tpu.dma_semaphore, #tpu.memory_space<semaphore_mem>>)
    %scan3A = arith.constant 0 : i32
    %scan3A_43 = arith.constant 0 : i32
    %scan3A_44 = arith.constant 62 : i32
    %scan3A_45 = arith.addi %scan3A_43, %scan3A_44 : i32
    %scan3A_46 = arith.constant 1 : i32
    scf.for %scan3A_64 = %scan3A_43 to %scan3A_45 step %scan3A_46  : i32 {
      %mul3A_65 = arith.constant 2 : i32
      %mul3A_66 = arith.muli %mul3A_65, %scan3A_64 : i32
      %add3A_67 = arith.constant 1 : i32
      %add3A_68 = arith.addi %mul3A_66, %add3A_67 : i32
      %mul3A_69 = arith.constant 80 : i32
      %mul3A_70 = arith.muli %add3A_68, %mul3A_69 : i32
      %add3A_71 = arith.addi %mul3A_2, %mul3A_70 : i32
      %dma_start3A_72 = tpu.memref_slice %arg4[%add3A_71] : memref<320000xi32, #tpu.memory_space<hbm>> -> memref<80xi32, #tpu.memory_space<hbm>>
      %dma_start3A_73 = tpu.memref_slice %arg4[%add3A_71] : memref<320000xi32, #tpu.memory_space<hbm>> -> memref<80xi32, #tpu.memory_space<hbm>>
      tpu.enqueue_dma source(%dma_start3A_73 : memref<80xi32, #tpu.memory_space<hbm>>) target(%arg9 : memref<80xi32, #tpu.memory_space<vmem>>) target_semaphore(%arg14 : memref<!tpu.dma_semaphore, #tpu.memory_space<semaphore_mem>>)
      %add3A_74 = arith.constant 1 : i32
      %add3A_75 = arith.addi %mul3A_66, %add3A_74 : i32
      %mul3A_76 = arith.constant 80 : i32
      %mul3A_77 = arith.muli %add3A_75, %mul3A_76 : i32
      %dma_start3A_78 = tpu.memref_slice %arg7[%mul3A_77] : memref<10000xi32, #tpu.memory_space<vmem>> -> memref<80xi32, #tpu.memory_space<vmem>>
      %dma_start3A_79 = arith.constant 0 : i32
      %dma_start3A_80 = arith.constant 0 : i32
      %dma_start3A_81 = tpu.memref_slice %arg2[%dma_start3A_79, %dma_start3A_80] : memref<10000x128xf32, #tpu.memory_space<hbm>> -> memref<10000x128xf32, #tpu.memory_space<hbm>>
      tpu.enqueue_indirect_dma source(%dma_start3A_81 : memref<10000x128xf32, #tpu.memory_space<hbm>>) target(%arg11 : memref<80x128xf32, #tpu.memory_space<vmem>>) offsets(%dma_start3A_78 : memref<80xi32, #tpu.memory_space<vmem>>) semaphore(%arg16 : memref<!tpu.dma_semaphore, #tpu.memory_space<semaphore_mem>>)
      %mul3A_82 = arith.constant 80 : i32
      %mul3A_83 = arith.muli %mul3A_66, %mul3A_82 : i32
      %dma_wait3A_84 = tpu.memref_slice %arg7[%mul3A_83] : memref<10000xi32, #tpu.memory_space<vmem>> -> memref<80xi32, #tpu.memory_space<vmem>>
      %dma_wait3A_85 = arith.constant 0 : i32
      %dma_wait3A_86 = arith.constant 0 : i32
      %dma_wait3A_87 = tpu.memref_slice %arg2[%dma_wait3A_85, %dma_wait3A_86] : memref<10000x128xf32, #tpu.memory_space<hbm>> -> memref<10000x128xf32, #tpu.memory_space<hbm>>
      tpu.wait_indirect_dma semaphore(%arg15 : memref<!tpu.dma_semaphore, #tpu.memory_space<semaphore_mem>>) src(%dma_wait3A_87 : memref<10000x128xf32, #tpu.memory_space<hbm>>) dst(%arg10 : memref<80x128xf32, #tpu.memory_space<vmem>>)
      %mul3A_88 = arith.constant 80 : i32
      %mul3A_89 = arith.muli %mul3A_66, %mul3A_88 : i32
      %add3A_90 = arith.addi %mul3A_2, %mul3A_89 : i32
      %dma_wait3A_91 = tpu.memref_slice %arg4[%add3A_90] : memref<320000xi32, #tpu.memory_space<hbm>> -> memref<80xi32, #tpu.memory_space<hbm>>
      %dma_wait3A_92 = tpu.memref_slice %arg4[%add3A_90] : memref<320000xi32, #tpu.memory_space<hbm>> -> memref<80xi32, #tpu.memory_space<hbm>>
      tpu.wait_dma2 semaphore(%arg13 : memref<!tpu.dma_semaphore, #tpu.memory_space<semaphore_mem>>) src(%dma_wait3A_92 : memref<80xi32, #tpu.memory_space<hbm>>) dst(%arg8 : memref<80xi32, #tpu.memory_space<vmem>>)
      "tpu.region"() ({
        %run_scoped3A = tpu.sem_alloc : memref<!tpu.dma_semaphore, #tpu.memory_space<semaphore_mem>>
        %dma_start3A_123 = arith.constant 0 : i32
        %dma_start3A_124 = arith.constant 0 : i32
        %dma_start3A_125 = tpu.memref_slice %arg12[%dma_start3A_123, %dma_start3A_124] : memref<10240x128xf32, #tpu.memory_space<vmem_shared>> -> memref<10240x128xf32, #tpu.memory_space<vmem_shared>>
        tpu.enqueue_indirect_dma source(%arg10 : memref<80x128xf32, #tpu.memory_space<vmem>>) target(%dma_start3A_125 : memref<10240x128xf32, #tpu.memory_space<vmem_shared>>) offsets(%arg8 : memref<80xi32, #tpu.memory_space<vmem>>) semaphore(%run_scoped3A : memref<!tpu.dma_semaphore, #tpu.memory_space<semaphore_mem>>) {add = true}
        %dma_wait3A_126 = arith.constant 0 : i32
        %dma_wait3A_127 = arith.constant 0 : i32
        %dma_wait3A_128 = tpu.memref_slice %arg12[%dma_wait3A_126, %dma_wait3A_127] : memref<10240x128xf32, #tpu.memory_space<vmem_shared>> -> memref<10240x128xf32, #tpu.memory_space<vmem_shared>>
        tpu.wait_indirect_dma semaphore(%run_scoped3A : memref<!tpu.dma_semaphore, #tpu.memory_space<semaphore_mem>>) src(%arg10 : memref<80x128xf32, #tpu.memory_space<vmem>>) dst(%dma_wait3A_128 : memref<10240x128xf32, #tpu.memory_space<vmem_shared>>)
        tpu.yield
      }) : () -> ()
      %add3A_93 = arith.constant 2 : i32
      %add3A_94 = arith.addi %mul3A_66, %add3A_93 : i32
      %mul3A_95 = arith.constant 80 : i32
      %mul3A_96 = arith.muli %add3A_94, %mul3A_95 : i32
      %add3A_97 = arith.addi %mul3A_2, %mul3A_96 : i32
      %dma_start3A_98 = tpu.memref_slice %arg4[%add3A_97] : memref<320000xi32, #tpu.memory_space<hbm>> -> memref<80xi32, #tpu.memory_space<hbm>>
      %dma_start3A_99 = tpu.memref_slice %arg4[%add3A_97] : memref<320000xi32, #tpu.memory_space<hbm>> -> memref<80xi32, #tpu.memory_space<hbm>>
      tpu.enqueue_dma source(%dma_start3A_99 : memref<80xi32, #tpu.memory_space<hbm>>) target(%arg8 : memref<80xi32, #tpu.memory_space<vmem>>) target_semaphore(%arg13 : memref<!tpu.dma_semaphore, #tpu.memory_space<semaphore_mem>>)
      %add3A_100 = arith.constant 2 : i32
      %add3A_101 = arith.addi %mul3A_66, %add3A_100 : i32
      %mul3A_102 = arith.constant 80 : i32
      %mul3A_103 = arith.muli %add3A_101, %mul3A_102 : i32
      %dma_start3A_104 = tpu.memref_slice %arg7[%mul3A_103] : memref<10000xi32, #tpu.memory_space<vmem>> -> memref<80xi32, #tpu.memory_space<vmem>>
      %dma_start3A_105 = arith.constant 0 : i32
      %dma_start3A_106 = arith.constant 0 : i32
      %dma_start3A_107 = tpu.memref_slice %arg2[%dma_start3A_105, %dma_start3A_106] : memref<10000x128xf32, #tpu.memory_space<hbm>> -> memref<10000x128xf32, #tpu.memory_space<hbm>>
      tpu.enqueue_indirect_dma source(%dma_start3A_107 : memref<10000x128xf32, #tpu.memory_space<hbm>>) target(%arg10 : memref<80x128xf32, #tpu.memory_space<vmem>>) offsets(%dma_start3A_104 : memref<80xi32, #tpu.memory_space<vmem>>) semaphore(%arg15 : memref<!tpu.dma_semaphore, #tpu.memory_space<semaphore_mem>>)
      %add3A_108 = arith.constant 1 : i32
      %add3A_109 = arith.addi %mul3A_66, %add3A_108 : i32
      %mul3A_110 = arith.constant 80 : i32
      %mul3A_111 = arith.muli %add3A_109, %mul3A_110 : i32
      %dma_wait3A_112 = tpu.memref_slice %arg7[%mul3A_111] : memref<10000xi32, #tpu.memory_space<vmem>> -> memref<80xi32, #tpu.memory_space<vmem>>
      %dma_wait3A_113 = arith.constant 0 : i32
      %dma_wait3A_114 = arith.constant 0 : i32
      %dma_wait3A_115 = tpu.memref_slice %arg2[%dma_wait3A_113, %dma_wait3A_114] : memref<10000x128xf32, #tpu.memory_space<hbm>> -> memref<10000x128xf32, #tpu.memory_space<hbm>>
      tpu.wait_indirect_dma semaphore(%arg16 : memref<!tpu.dma_semaphore, #tpu.memory_space<semaphore_mem>>) src(%dma_wait3A_115 : memref<10000x128xf32, #tpu.memory_space<hbm>>) dst(%arg11 : memref<80x128xf32, #tpu.memory_space<vmem>>)
      %add3A_116 = arith.constant 1 : i32
      %add3A_117 = arith.addi %mul3A_66, %add3A_116 : i32
      %mul3A_118 = arith.constant 80 : i32
      %mul3A_119 = arith.muli %add3A_117, %mul3A_118 : i32
      %add3A_120 = arith.addi %mul3A_2, %mul3A_119 : i32
      %dma_wait3A_121 = tpu.memref_slice %arg4[%add3A_120] : memref<320000xi32, #tpu.memory_space<hbm>> -> memref<80xi32, #tpu.memory_space<hbm>>
      %dma_wait3A_122 = tpu.memref_slice %arg4[%add3A_120] : memref<320000xi32, #tpu.memory_space<hbm>> -> memref<80xi32, #tpu.memory_space<hbm>>
      tpu.wait_dma2 semaphore(%arg14 : memref<!tpu.dma_semaphore, #tpu.memory_space<semaphore_mem>>) src(%dma_wait3A_122 : memref<80xi32, #tpu.memory_space<hbm>>) dst(%arg9 : memref<80xi32, #tpu.memory_space<vmem>>)
      "tpu.region"() ({
        %run_scoped3A = tpu.sem_alloc : memref<!tpu.dma_semaphore, #tpu.memory_space<semaphore_mem>>
        %dma_start3A_123 = arith.constant 0 : i32
        %dma_start3A_124 = arith.constant 0 : i32
        %dma_start3A_125 = tpu.memref_slice %arg12[%dma_start3A_123, %dma_start3A_124] : memref<10240x128xf32, #tpu.memory_space<vmem_shared>> -> memref<10240x128xf32, #tpu.memory_space<vmem_shared>>
        tpu.enqueue_indirect_dma source(%arg11 : memref<80x128xf32, #tpu.memory_space<vmem>>) target(%dma_start3A_125 : memref<10240x128xf32, #tpu.memory_space<vmem_shared>>) offsets(%arg9 : memref<80xi32, #tpu.memory_space<vmem>>) semaphore(%run_scoped3A : memref<!tpu.dma_semaphore, #tpu.memory_space<semaphore_mem>>) {add = true}
        %dma_wait3A_126 = arith.constant 0 : i32
        %dma_wait3A_127 = arith.constant 0 : i32
        %dma_wait3A_128 = tpu.memref_slice %arg12[%dma_wait3A_126, %dma_wait3A_127] : memref<10240x128xf32, #tpu.memory_space<vmem_shared>> -> memref<10240x128xf32, #tpu.memory_space<vmem_shared>>
        tpu.wait_indirect_dma semaphore(%run_scoped3A : memref<!tpu.dma_semaphore, #tpu.memory_space<semaphore_mem>>) src(%arg11 : memref<80x128xf32, #tpu.memory_space<vmem>>) dst(%dma_wait3A_128 : memref<10240x128xf32, #tpu.memory_space<vmem_shared>>)
        tpu.yield
      }) : () -> ()
    }
    %scan3A_47 = arith.constant 62 : i32
    %dma_wait3A = arith.constant 9920 : i32
    %dma_wait3A_48 = tpu.memref_slice %arg7[%dma_wait3A] : memref<10000xi32, #tpu.memory_space<vmem>> -> memref<80xi32, #tpu.memory_space<vmem>>
    %dma_wait3A_49 = arith.constant 0 : i32
    %dma_wait3A_50 = arith.constant 0 : i32
    %dma_wait3A_51 = tpu.memref_slice %arg2[%dma_wait3A_49, %dma_wait3A_50] : memref<10000x128xf32, #tpu.memory_space<hbm>> -> memref<10000x128xf32, #tpu.memory_space<hbm>>
    tpu.wait_indirect_dma semaphore(%arg15 : memref<!tpu.dma_semaphore, #tpu.memory_space<semaphore_mem>>) src(%dma_wait3A_51 : memref<10000x128xf32, #tpu.memory_space<hbm>>) dst(%arg10 : memref<80x128xf32, #tpu.memory_space<vmem>>)
    %add3A_52 = arith.constant 9920 : i32
    %add3A_53 = arith.addi %mul3A_2, %add3A_52 : i32
    %dma_wait3A_54 = tpu.memref_slice %arg4[%add3A_53] : memref<320000xi32, #tpu.memory_space<hbm>> -> memref<80xi32, #tpu.memory_space<hbm>>
    %dma_wait3A_55 = tpu.memref_slice %arg4[%add3A_53] : memref<320000xi32, #tpu.memory_space<hbm>> -> memref<80xi32, #tpu.memory_space<hbm>>
    tpu.wait_dma2 semaphore(%arg13 : memref<!tpu.dma_semaphore, #tpu.memory_space<semaphore_mem>>) src(%dma_wait3A_55 : memref<80xi32, #tpu.memory_space<hbm>>) dst(%arg8 : memref<80xi32, #tpu.memory_space<vmem>>)
    "tpu.region"() ({
      %run_scoped3A = tpu.sem_alloc : memref<!tpu.dma_semaphore, #tpu.memory_space<semaphore_mem>>
      %dma_start3A_64 = arith.constant 0 : i32
      %dma_start3A_65 = arith.constant 0 : i32
      %dma_start3A_66 = tpu.memref_slice %arg12[%dma_start3A_64, %dma_start3A_65] : memref<10240x128xf32, #tpu.memory_space<vmem_shared>> -> memref<10240x128xf32, #tpu.memory_space<vmem_shared>>
      tpu.enqueue_indirect_dma source(%arg10 : memref<80x128xf32, #tpu.memory_space<vmem>>) target(%dma_start3A_66 : memref<10240x128xf32, #tpu.memory_space<vmem_shared>>) offsets(%arg8 : memref<80xi32, #tpu.memory_space<vmem>>) semaphore(%run_scoped3A : memref<!tpu.dma_semaphore, #tpu.memory_space<semaphore_mem>>) {add = true}
      %dma_wait3A_67 = arith.constant 0 : i32
      %dma_wait3A_68 = arith.constant 0 : i32
      %dma_wait3A_69 = tpu.memref_slice %arg12[%dma_wait3A_67, %dma_wait3A_68] : memref<10240x128xf32, #tpu.memory_space<vmem_shared>> -> memref<10240x128xf32, #tpu.memory_space<vmem_shared>>
      tpu.wait_indirect_dma semaphore(%run_scoped3A : memref<!tpu.dma_semaphore, #tpu.memory_space<semaphore_mem>>) src(%arg10 : memref<80x128xf32, #tpu.memory_space<vmem>>) dst(%dma_wait3A_69 : memref<10240x128xf32, #tpu.memory_space<vmem_shared>>)
      tpu.yield
    }) : () -> ()
    %barrier3A_56 = arith.constant 0 : index
    tpu.barrier barrier_id(%barrier3A_56)
    %mul3A_57 = arith.constant 640 : i32
    %mul3A_58 = arith.muli %arg1, %mul3A_57 : i32
    %mul3A_59 = arith.constant 10240 : i32
    %mul3A_60 = arith.muli %arg0, %mul3A_59 : i32
    %mul3A_61 = arith.constant 640 : i32
    %mul3A_62 = arith.muli %arg1, %mul3A_61 : i32
    %add3A_63 = arith.addi %mul3A_60, %mul3A_62 : i32
    "tpu.region"() ({
      %run_scoped3A = tpu.sem_alloc : memref<!tpu.dma_semaphore, #tpu.memory_space<semaphore_mem>>
      %dma_start3A_64 = arith.constant 0 : i32
      %dma_start3A_65 = tpu.memref_slice %arg6[%add3A_63, %dma_start3A_64] : memref<20480x128xf32, #tpu.memory_space<hbm>> -> memref<640x128xf32, #tpu.memory_space<hbm>>
      %dma_start3A_66 = arith.constant 0 : i32
      %dma_start3A_67 = tpu.memref_slice %arg12[%mul3A_58, %dma_start3A_66] : memref<10240x128xf32, #tpu.memory_space<vmem_shared>> -> memref<640x128xf32, #tpu.memory_space<vmem_shared>>
      tpu.enqueue_dma source(%dma_start3A_67 : memref<640x128xf32, #tpu.memory_space<vmem_shared>>) target(%dma_start3A_65 : memref<640x128xf32, #tpu.memory_space<hbm>>) target_semaphore(%run_scoped3A : memref<!tpu.dma_semaphore, #tpu.memory_space<semaphore_mem>>)
      %dma_wait3A_68 = arith.constant 0 : i32
      %dma_wait3A_69 = tpu.memref_slice %arg6[%add3A_63, %dma_wait3A_68] : memref<20480x128xf32, #tpu.memory_space<hbm>> -> memref<640x128xf32, #tpu.memory_space<hbm>>
      %dma_wait3A_70 = arith.constant 0 : i32
      %dma_wait3A_71 = tpu.memref_slice %arg12[%mul3A_58, %dma_wait3A_70] : memref<10240x128xf32, #tpu.memory_space<vmem_shared>> -> memref<640x128xf32, #tpu.memory_space<vmem_shared>>
      tpu.wait_dma2 semaphore(%run_scoped3A : memref<!tpu.dma_semaphore, #tpu.memory_space<semaphore_mem>>) src(%dma_wait3A_71 : memref<640x128xf32, #tpu.memory_space<vmem_shared>>) dst(%dma_wait3A_69 : memref<640x128xf32, #tpu.memory_space<hbm>>)
      tpu.yield
    }) : () -> ()
    return
  }
}

#map = affine_map<(d0, d1) -> (0)>
#map1 = affine_map<(d0, d1) -> (0, 0)>
module attributes {stable_mosaic.version = 14 : i64} {
  func.func @_deg_body(%arg0: i32, %arg1: i32, %arg2: memref<320000xi32, #tpu.memory_space<hbm>>, %arg3: memref<80x128xf32, #tpu.memory_space<hbm>>, %arg4: memref<80x128xf32, #tpu.memory_space<hbm>>, %arg5: memref<20480x128xf32, #tpu.memory_space<hbm>>, %arg6: memref<80x128xf32, #tpu.memory_space<vmem>>, %arg7: memref<80xi32, #tpu.memory_space<vmem>>, %arg8: memref<80xi32, #tpu.memory_space<vmem>>, %arg9: memref<10240x128xf32, #tpu.memory_space<vmem_shared>>, %arg10: memref<!tpu.dma_semaphore, #tpu.memory_space<semaphore_mem>>, %arg11: memref<!tpu.dma_semaphore, #tpu.memory_space<semaphore_mem>>) attributes {dimension_semantics = [#tpu.dimension_semantics<core_parallel>, #tpu.dimension_semantics<subcore_parallel>], iteration_bounds = array<i64: 2, 16>, scalar_prefetch = 0 : i64, scratch_operands = 6 : i64, tpu.core_type = #tpu.core_type<sc_vector_subcore>, window_params = [{transform_indices = #map}, {transform_indices = #map1}, {transform_indices = #map1}, {transform_indices = #map1}]} {
    %mul3A = arith.constant 2 : i32
    %mul3A_0 = arith.muli %arg1, %mul3A : i32
    %add3A = arith.addi %mul3A_0, %arg0 : i32
    %mul3A_1 = arith.constant 10000 : i32
    %mul3A_2 = arith.muli %add3A, %mul3A_1 : i32
    "tpu.region"() ({
      %run_scoped3A = tpu.sem_alloc : memref<!tpu.dma_semaphore, #tpu.memory_space<semaphore_mem>>
      tpu.enqueue_dma source(%arg4 : memref<80x128xf32, #tpu.memory_space<hbm>>) target(%arg6 : memref<80x128xf32, #tpu.memory_space<vmem>>) target_semaphore(%run_scoped3A : memref<!tpu.dma_semaphore, #tpu.memory_space<semaphore_mem>>)
      tpu.wait_dma2 semaphore(%run_scoped3A : memref<!tpu.dma_semaphore, #tpu.memory_space<semaphore_mem>>) src(%arg4 : memref<80x128xf32, #tpu.memory_space<hbm>>) dst(%arg6 : memref<80x128xf32, #tpu.memory_space<vmem>>)
      tpu.yield
    }) : () -> ()
    %mul3A_3 = arith.constant 640 : i32
    %mul3A_4 = arith.muli %arg1, %mul3A_3 : i32
    %add3A_5 = arith.constant 0 : i32
    %add3A_6 = arith.addi %mul3A_4, %add3A_5 : i32
    "tpu.region"() ({
      %run_scoped3A = tpu.sem_alloc : memref<!tpu.dma_semaphore, #tpu.memory_space<semaphore_mem>>
      %dma_start3A_54 = arith.constant 0 : i32
      %dma_start3A_55 = tpu.memref_slice %arg9[%add3A_6, %dma_start3A_54] : memref<10240x128xf32, #tpu.memory_space<vmem_shared>> -> memref<80x128xf32, #tpu.memory_space<vmem_shared>>
      %dma_start3A_56 = arith.constant 0 : i32
      %dma_start3A_57 = tpu.memref_slice %arg9[%add3A_6, %dma_start3A_56] : memref<10240x128xf32, #tpu.memory_space<vmem_shared>> -> memref<80x128xf32, #tpu.memory_space<vmem_shared>>
      tpu.enqueue_dma source(%arg6 : memref<80x128xf32, #tpu.memory_space<vmem>>) target(%dma_start3A_57 : memref<80x128xf32, #tpu.memory_space<vmem_shared>>) target_semaphore(%run_scoped3A : memref<!tpu.dma_semaphore, #tpu.memory_space<semaphore_mem>>)
      %dma_wait3A_58 = arith.constant 0 : i32
      %dma_wait3A_59 = tpu.memref_slice %arg9[%add3A_6, %dma_wait3A_58] : memref<10240x128xf32, #tpu.memory_space<vmem_shared>> -> memref<80x128xf32, #tpu.memory_space<vmem_shared>>
      %dma_wait3A_60 = arith.constant 0 : i32
      %dma_wait3A_61 = tpu.memref_slice %arg9[%add3A_6, %dma_wait3A_60] : memref<10240x128xf32, #tpu.memory_space<vmem_shared>> -> memref<80x128xf32, #tpu.memory_space<vmem_shared>>
      tpu.wait_dma2 semaphore(%run_scoped3A : memref<!tpu.dma_semaphore, #tpu.memory_space<semaphore_mem>>) src(%arg6 : memref<80x128xf32, #tpu.memory_space<vmem>>) dst(%dma_wait3A_61 : memref<80x128xf32, #tpu.memory_space<vmem_shared>>)
      tpu.yield
    }) : () -> ()
    %mul3A_7 = arith.constant 640 : i32
    %mul3A_8 = arith.muli %arg1, %mul3A_7 : i32
    %add3A_9 = arith.constant 80 : i32
    %add3A_10 = arith.addi %mul3A_8, %add3A_9 : i32
    "tpu.region"() ({
      %run_scoped3A = tpu.sem_alloc : memref<!tpu.dma_semaphore, #tpu.memory_space<semaphore_mem>>
      %dma_start3A_54 = arith.constant 0 : i32
      %dma_start3A_55 = tpu.memref_slice %arg9[%add3A_10, %dma_start3A_54] : memref<10240x128xf32, #tpu.memory_space<vmem_shared>> -> memref<80x128xf32, #tpu.memory_space<vmem_shared>>
      %dma_start3A_56 = arith.constant 0 : i32
      %dma_start3A_57 = tpu.memref_slice %arg9[%add3A_10, %dma_start3A_56] : memref<10240x128xf32, #tpu.memory_space<vmem_shared>> -> memref<80x128xf32, #tpu.memory_space<vmem_shared>>
      tpu.enqueue_dma source(%arg6 : memref<80x128xf32, #tpu.memory_space<vmem>>) target(%dma_start3A_57 : memref<80x128xf32, #tpu.memory_space<vmem_shared>>) target_semaphore(%run_scoped3A : memref<!tpu.dma_semaphore, #tpu.memory_space<semaphore_mem>>)
      %dma_wait3A_58 = arith.constant 0 : i32
      %dma_wait3A_59 = tpu.memref_slice %arg9[%add3A_10, %dma_wait3A_58] : memref<10240x128xf32, #tpu.memory_space<vmem_shared>> -> memref<80x128xf32, #tpu.memory_space<vmem_shared>>
      %dma_wait3A_60 = arith.constant 0 : i32
      %dma_wait3A_61 = tpu.memref_slice %arg9[%add3A_10, %dma_wait3A_60] : memref<10240x128xf32, #tpu.memory_space<vmem_shared>> -> memref<80x128xf32, #tpu.memory_space<vmem_shared>>
      tpu.wait_dma2 semaphore(%run_scoped3A : memref<!tpu.dma_semaphore, #tpu.memory_space<semaphore_mem>>) src(%arg6 : memref<80x128xf32, #tpu.memory_space<vmem>>) dst(%dma_wait3A_61 : memref<80x128xf32, #tpu.memory_space<vmem_shared>>)
      tpu.yield
    }) : () -> ()
    %mul3A_11 = arith.constant 640 : i32
    %mul3A_12 = arith.muli %arg1, %mul3A_11 : i32
    %add3A_13 = arith.constant 160 : i32
    %add3A_14 = arith.addi %mul3A_12, %add3A_13 : i32
    "tpu.region"() ({
      %run_scoped3A = tpu.sem_alloc : memref<!tpu.dma_semaphore, #tpu.memory_space<semaphore_mem>>
      %dma_start3A_54 = arith.constant 0 : i32
      %dma_start3A_55 = tpu.memref_slice %arg9[%add3A_14, %dma_start3A_54] : memref<10240x128xf32, #tpu.memory_space<vmem_shared>> -> memref<80x128xf32, #tpu.memory_space<vmem_shared>>
      %dma_start3A_56 = arith.constant 0 : i32
      %dma_start3A_57 = tpu.memref_slice %arg9[%add3A_14, %dma_start3A_56] : memref<10240x128xf32, #tpu.memory_space<vmem_shared>> -> memref<80x128xf32, #tpu.memory_space<vmem_shared>>
      tpu.enqueue_dma source(%arg6 : memref<80x128xf32, #tpu.memory_space<vmem>>) target(%dma_start3A_57 : memref<80x128xf32, #tpu.memory_space<vmem_shared>>) target_semaphore(%run_scoped3A : memref<!tpu.dma_semaphore, #tpu.memory_space<semaphore_mem>>)
      %dma_wait3A_58 = arith.constant 0 : i32
      %dma_wait3A_59 = tpu.memref_slice %arg9[%add3A_14, %dma_wait3A_58] : memref<10240x128xf32, #tpu.memory_space<vmem_shared>> -> memref<80x128xf32, #tpu.memory_space<vmem_shared>>
      %dma_wait3A_60 = arith.constant 0 : i32
      %dma_wait3A_61 = tpu.memref_slice %arg9[%add3A_14, %dma_wait3A_60] : memref<10240x128xf32, #tpu.memory_space<vmem_shared>> -> memref<80x128xf32, #tpu.memory_space<vmem_shared>>
      tpu.wait_dma2 semaphore(%run_scoped3A : memref<!tpu.dma_semaphore, #tpu.memory_space<semaphore_mem>>) src(%arg6 : memref<80x128xf32, #tpu.memory_space<vmem>>) dst(%dma_wait3A_61 : memref<80x128xf32, #tpu.memory_space<vmem_shared>>)
      tpu.yield
    }) : () -> ()
    %mul3A_15 = arith.constant 640 : i32
    %mul3A_16 = arith.muli %arg1, %mul3A_15 : i32
    %add3A_17 = arith.constant 240 : i32
    %add3A_18 = arith.addi %mul3A_16, %add3A_17 : i32
    "tpu.region"() ({
      %run_scoped3A = tpu.sem_alloc : memref<!tpu.dma_semaphore, #tpu.memory_space<semaphore_mem>>
      %dma_start3A_54 = arith.constant 0 : i32
      %dma_start3A_55 = tpu.memref_slice %arg9[%add3A_18, %dma_start3A_54] : memref<10240x128xf32, #tpu.memory_space<vmem_shared>> -> memref<80x128xf32, #tpu.memory_space<vmem_shared>>
      %dma_start3A_56 = arith.constant 0 : i32
      %dma_start3A_57 = tpu.memref_slice %arg9[%add3A_18, %dma_start3A_56] : memref<10240x128xf32, #tpu.memory_space<vmem_shared>> -> memref<80x128xf32, #tpu.memory_space<vmem_shared>>
      tpu.enqueue_dma source(%arg6 : memref<80x128xf32, #tpu.memory_space<vmem>>) target(%dma_start3A_57 : memref<80x128xf32, #tpu.memory_space<vmem_shared>>) target_semaphore(%run_scoped3A : memref<!tpu.dma_semaphore, #tpu.memory_space<semaphore_mem>>)
      %dma_wait3A_58 = arith.constant 0 : i32
      %dma_wait3A_59 = tpu.memref_slice %arg9[%add3A_18, %dma_wait3A_58] : memref<10240x128xf32, #tpu.memory_space<vmem_shared>> -> memref<80x128xf32, #tpu.memory_space<vmem_shared>>
      %dma_wait3A_60 = arith.constant 0 : i32
      %dma_wait3A_61 = tpu.memref_slice %arg9[%add3A_18, %dma_wait3A_60] : memref<10240x128xf32, #tpu.memory_space<vmem_shared>> -> memref<80x128xf32, #tpu.memory_space<vmem_shared>>
      tpu.wait_dma2 semaphore(%run_scoped3A : memref<!tpu.dma_semaphore, #tpu.memory_space<semaphore_mem>>) src(%arg6 : memref<80x128xf32, #tpu.memory_space<vmem>>) dst(%dma_wait3A_61 : memref<80x128xf32, #tpu.memory_space<vmem_shared>>)
      tpu.yield
    }) : () -> ()
    %mul3A_19 = arith.constant 640 : i32
    %mul3A_20 = arith.muli %arg1, %mul3A_19 : i32
    %add3A_21 = arith.constant 320 : i32
    %add3A_22 = arith.addi %mul3A_20, %add3A_21 : i32
    "tpu.region"() ({
      %run_scoped3A = tpu.sem_alloc : memref<!tpu.dma_semaphore, #tpu.memory_space<semaphore_mem>>
      %dma_start3A_54 = arith.constant 0 : i32
      %dma_start3A_55 = tpu.memref_slice %arg9[%add3A_22, %dma_start3A_54] : memref<10240x128xf32, #tpu.memory_space<vmem_shared>> -> memref<80x128xf32, #tpu.memory_space<vmem_shared>>
      %dma_start3A_56 = arith.constant 0 : i32
      %dma_start3A_57 = tpu.memref_slice %arg9[%add3A_22, %dma_start3A_56] : memref<10240x128xf32, #tpu.memory_space<vmem_shared>> -> memref<80x128xf32, #tpu.memory_space<vmem_shared>>
      tpu.enqueue_dma source(%arg6 : memref<80x128xf32, #tpu.memory_space<vmem>>) target(%dma_start3A_57 : memref<80x128xf32, #tpu.memory_space<vmem_shared>>) target_semaphore(%run_scoped3A : memref<!tpu.dma_semaphore, #tpu.memory_space<semaphore_mem>>)
      %dma_wait3A_58 = arith.constant 0 : i32
      %dma_wait3A_59 = tpu.memref_slice %arg9[%add3A_22, %dma_wait3A_58] : memref<10240x128xf32, #tpu.memory_space<vmem_shared>> -> memref<80x128xf32, #tpu.memory_space<vmem_shared>>
      %dma_wait3A_60 = arith.constant 0 : i32
      %dma_wait3A_61 = tpu.memref_slice %arg9[%add3A_22, %dma_wait3A_60] : memref<10240x128xf32, #tpu.memory_space<vmem_shared>> -> memref<80x128xf32, #tpu.memory_space<vmem_shared>>
      tpu.wait_dma2 semaphore(%run_scoped3A : memref<!tpu.dma_semaphore, #tpu.memory_space<semaphore_mem>>) src(%arg6 : memref<80x128xf32, #tpu.memory_space<vmem>>) dst(%dma_wait3A_61 : memref<80x128xf32, #tpu.memory_space<vmem_shared>>)
      tpu.yield
    }) : () -> ()
    %mul3A_23 = arith.constant 640 : i32
    %mul3A_24 = arith.muli %arg1, %mul3A_23 : i32
    %add3A_25 = arith.constant 400 : i32
    %add3A_26 = arith.addi %mul3A_24, %add3A_25 : i32
    "tpu.region"() ({
      %run_scoped3A = tpu.sem_alloc : memref<!tpu.dma_semaphore, #tpu.memory_space<semaphore_mem>>
      %dma_start3A_54 = arith.constant 0 : i32
      %dma_start3A_55 = tpu.memref_slice %arg9[%add3A_26, %dma_start3A_54] : memref<10240x128xf32, #tpu.memory_space<vmem_shared>> -> memref<80x128xf32, #tpu.memory_space<vmem_shared>>
      %dma_start3A_56 = arith.constant 0 : i32
      %dma_start3A_57 = tpu.memref_slice %arg9[%add3A_26, %dma_start3A_56] : memref<10240x128xf32, #tpu.memory_space<vmem_shared>> -> memref<80x128xf32, #tpu.memory_space<vmem_shared>>
      tpu.enqueue_dma source(%arg6 : memref<80x128xf32, #tpu.memory_space<vmem>>) target(%dma_start3A_57 : memref<80x128xf32, #tpu.memory_space<vmem_shared>>) target_semaphore(%run_scoped3A : memref<!tpu.dma_semaphore, #tpu.memory_space<semaphore_mem>>)
      %dma_wait3A_58 = arith.constant 0 : i32
      %dma_wait3A_59 = tpu.memref_slice %arg9[%add3A_26, %dma_wait3A_58] : memref<10240x128xf32, #tpu.memory_space<vmem_shared>> -> memref<80x128xf32, #tpu.memory_space<vmem_shared>>
      %dma_wait3A_60 = arith.constant 0 : i32
      %dma_wait3A_61 = tpu.memref_slice %arg9[%add3A_26, %dma_wait3A_60] : memref<10240x128xf32, #tpu.memory_space<vmem_shared>> -> memref<80x128xf32, #tpu.memory_space<vmem_shared>>
      tpu.wait_dma2 semaphore(%run_scoped3A : memref<!tpu.dma_semaphore, #tpu.memory_space<semaphore_mem>>) src(%arg6 : memref<80x128xf32, #tpu.memory_space<vmem>>) dst(%dma_wait3A_61 : memref<80x128xf32, #tpu.memory_space<vmem_shared>>)
      tpu.yield
    }) : () -> ()
    %mul3A_27 = arith.constant 640 : i32
    %mul3A_28 = arith.muli %arg1, %mul3A_27 : i32
    %add3A_29 = arith.constant 480 : i32
    %add3A_30 = arith.addi %mul3A_28, %add3A_29 : i32
    "tpu.region"() ({
      %run_scoped3A = tpu.sem_alloc : memref<!tpu.dma_semaphore, #tpu.memory_space<semaphore_mem>>
      %dma_start3A_54 = arith.constant 0 : i32
      %dma_start3A_55 = tpu.memref_slice %arg9[%add3A_30, %dma_start3A_54] : memref<10240x128xf32, #tpu.memory_space<vmem_shared>> -> memref<80x128xf32, #tpu.memory_space<vmem_shared>>
      %dma_start3A_56 = arith.constant 0 : i32
      %dma_start3A_57 = tpu.memref_slice %arg9[%add3A_30, %dma_start3A_56] : memref<10240x128xf32, #tpu.memory_space<vmem_shared>> -> memref<80x128xf32, #tpu.memory_space<vmem_shared>>
      tpu.enqueue_dma source(%arg6 : memref<80x128xf32, #tpu.memory_space<vmem>>) target(%dma_start3A_57 : memref<80x128xf32, #tpu.memory_space<vmem_shared>>) target_semaphore(%run_scoped3A : memref<!tpu.dma_semaphore, #tpu.memory_space<semaphore_mem>>)
      %dma_wait3A_58 = arith.constant 0 : i32
      %dma_wait3A_59 = tpu.memref_slice %arg9[%add3A_30, %dma_wait3A_58] : memref<10240x128xf32, #tpu.memory_space<vmem_shared>> -> memref<80x128xf32, #tpu.memory_space<vmem_shared>>
      %dma_wait3A_60 = arith.constant 0 : i32
      %dma_wait3A_61 = tpu.memref_slice %arg9[%add3A_30, %dma_wait3A_60] : memref<10240x128xf32, #tpu.memory_space<vmem_shared>> -> memref<80x128xf32, #tpu.memory_space<vmem_shared>>
      tpu.wait_dma2 semaphore(%run_scoped3A : memref<!tpu.dma_semaphore, #tpu.memory_space<semaphore_mem>>) src(%arg6 : memref<80x128xf32, #tpu.memory_space<vmem>>) dst(%dma_wait3A_61 : memref<80x128xf32, #tpu.memory_space<vmem_shared>>)
      tpu.yield
    }) : () -> ()
    %mul3A_31 = arith.constant 640 : i32
    %mul3A_32 = arith.muli %arg1, %mul3A_31 : i32
    %add3A_33 = arith.constant 560 : i32
    %add3A_34 = arith.addi %mul3A_32, %add3A_33 : i32
    "tpu.region"() ({
      %run_scoped3A = tpu.sem_alloc : memref<!tpu.dma_semaphore, #tpu.memory_space<semaphore_mem>>
      %dma_start3A_54 = arith.constant 0 : i32
      %dma_start3A_55 = tpu.memref_slice %arg9[%add3A_34, %dma_start3A_54] : memref<10240x128xf32, #tpu.memory_space<vmem_shared>> -> memref<80x128xf32, #tpu.memory_space<vmem_shared>>
      %dma_start3A_56 = arith.constant 0 : i32
      %dma_start3A_57 = tpu.memref_slice %arg9[%add3A_34, %dma_start3A_56] : memref<10240x128xf32, #tpu.memory_space<vmem_shared>> -> memref<80x128xf32, #tpu.memory_space<vmem_shared>>
      tpu.enqueue_dma source(%arg6 : memref<80x128xf32, #tpu.memory_space<vmem>>) target(%dma_start3A_57 : memref<80x128xf32, #tpu.memory_space<vmem_shared>>) target_semaphore(%run_scoped3A : memref<!tpu.dma_semaphore, #tpu.memory_space<semaphore_mem>>)
      %dma_wait3A_58 = arith.constant 0 : i32
      %dma_wait3A_59 = tpu.memref_slice %arg9[%add3A_34, %dma_wait3A_58] : memref<10240x128xf32, #tpu.memory_space<vmem_shared>> -> memref<80x128xf32, #tpu.memory_space<vmem_shared>>
      %dma_wait3A_60 = arith.constant 0 : i32
      %dma_wait3A_61 = tpu.memref_slice %arg9[%add3A_34, %dma_wait3A_60] : memref<10240x128xf32, #tpu.memory_space<vmem_shared>> -> memref<80x128xf32, #tpu.memory_space<vmem_shared>>
      tpu.wait_dma2 semaphore(%run_scoped3A : memref<!tpu.dma_semaphore, #tpu.memory_space<semaphore_mem>>) src(%arg6 : memref<80x128xf32, #tpu.memory_space<vmem>>) dst(%dma_wait3A_61 : memref<80x128xf32, #tpu.memory_space<vmem_shared>>)
      tpu.yield
    }) : () -> ()
    "tpu.region"() ({
      %run_scoped3A = tpu.sem_alloc : memref<!tpu.dma_semaphore, #tpu.memory_space<semaphore_mem>>
      tpu.enqueue_dma source(%arg3 : memref<80x128xf32, #tpu.memory_space<hbm>>) target(%arg6 : memref<80x128xf32, #tpu.memory_space<vmem>>) target_semaphore(%run_scoped3A : memref<!tpu.dma_semaphore, #tpu.memory_space<semaphore_mem>>)
      tpu.wait_dma2 semaphore(%run_scoped3A : memref<!tpu.dma_semaphore, #tpu.memory_space<semaphore_mem>>) src(%arg3 : memref<80x128xf32, #tpu.memory_space<hbm>>) dst(%arg6 : memref<80x128xf32, #tpu.memory_space<vmem>>)
      tpu.yield
    }) : () -> ()
    %barrier3A = arith.constant 0 : index
    tpu.barrier barrier_id(%barrier3A)
    %add3A_35 = arith.constant 0 : i32
    %add3A_36 = arith.addi %mul3A_2, %add3A_35 : i32
    %dma_start3A = tpu.memref_slice %arg2[%add3A_36] : memref<320000xi32, #tpu.memory_space<hbm>> -> memref<80xi32, #tpu.memory_space<hbm>>
    %dma_start3A_37 = tpu.memref_slice %arg2[%add3A_36] : memref<320000xi32, #tpu.memory_space<hbm>> -> memref<80xi32, #tpu.memory_space<hbm>>
    tpu.enqueue_dma source(%dma_start3A_37 : memref<80xi32, #tpu.memory_space<hbm>>) target(%arg7 : memref<80xi32, #tpu.memory_space<vmem>>) target_semaphore(%arg10 : memref<!tpu.dma_semaphore, #tpu.memory_space<semaphore_mem>>)
    %scan3A = arith.constant 0 : i32
    %scan3A_38 = arith.constant 0 : i32
    %scan3A_39 = arith.constant 62 : i32
    %scan3A_40 = arith.addi %scan3A_38, %scan3A_39 : i32
    %scan3A_41 = arith.constant 1 : i32
    scf.for %scan3A_54 = %scan3A_38 to %scan3A_40 step %scan3A_41  : i32 {
      %mul3A_55 = arith.constant 2 : i32
      %mul3A_56 = arith.muli %mul3A_55, %scan3A_54 : i32
      %add3A_57 = arith.constant 1 : i32
      %add3A_58 = arith.addi %mul3A_56, %add3A_57 : i32
      %mul3A_59 = arith.constant 80 : i32
      %mul3A_60 = arith.muli %add3A_58, %mul3A_59 : i32
      %add3A_61 = arith.addi %mul3A_2, %mul3A_60 : i32
      %dma_start3A_62 = tpu.memref_slice %arg2[%add3A_61] : memref<320000xi32, #tpu.memory_space<hbm>> -> memref<80xi32, #tpu.memory_space<hbm>>
      %dma_start3A_63 = tpu.memref_slice %arg2[%add3A_61] : memref<320000xi32, #tpu.memory_space<hbm>> -> memref<80xi32, #tpu.memory_space<hbm>>
      tpu.enqueue_dma source(%dma_start3A_63 : memref<80xi32, #tpu.memory_space<hbm>>) target(%arg8 : memref<80xi32, #tpu.memory_space<vmem>>) target_semaphore(%arg11 : memref<!tpu.dma_semaphore, #tpu.memory_space<semaphore_mem>>)
      %mul3A_64 = arith.constant 80 : i32
      %mul3A_65 = arith.muli %mul3A_56, %mul3A_64 : i32
      %add3A_66 = arith.addi %mul3A_2, %mul3A_65 : i32
      %dma_wait3A_67 = tpu.memref_slice %arg2[%add3A_66] : memref<320000xi32, #tpu.memory_space<hbm>> -> memref<80xi32, #tpu.memory_space<hbm>>
      %dma_wait3A_68 = tpu.memref_slice %arg2[%add3A_66] : memref<320000xi32, #tpu.memory_space<hbm>> -> memref<80xi32, #tpu.memory_space<hbm>>
      tpu.wait_dma2 semaphore(%arg10 : memref<!tpu.dma_semaphore, #tpu.memory_space<semaphore_mem>>) src(%dma_wait3A_68 : memref<80xi32, #tpu.memory_space<hbm>>) dst(%arg7 : memref<80xi32, #tpu.memory_space<vmem>>)
      "tpu.region"() ({
        %run_scoped3A = tpu.sem_alloc : memref<!tpu.dma_semaphore, #tpu.memory_space<semaphore_mem>>
        %dma_start3A_83 = arith.constant 0 : i32
        %dma_start3A_84 = arith.constant 0 : i32
        %dma_start3A_85 = tpu.memref_slice %arg9[%dma_start3A_83, %dma_start3A_84] : memref<10240x128xf32, #tpu.memory_space<vmem_shared>> -> memref<10240x128xf32, #tpu.memory_space<vmem_shared>>
        tpu.enqueue_indirect_dma source(%arg6 : memref<80x128xf32, #tpu.memory_space<vmem>>) target(%dma_start3A_85 : memref<10240x128xf32, #tpu.memory_space<vmem_shared>>) offsets(%arg7 : memref<80xi32, #tpu.memory_space<vmem>>) semaphore(%run_scoped3A : memref<!tpu.dma_semaphore, #tpu.memory_space<semaphore_mem>>) {add = true}
        %dma_wait3A_86 = arith.constant 0 : i32
        %dma_wait3A_87 = arith.constant 0 : i32
        %dma_wait3A_88 = tpu.memref_slice %arg9[%dma_wait3A_86, %dma_wait3A_87] : memref<10240x128xf32, #tpu.memory_space<vmem_shared>> -> memref<10240x128xf32, #tpu.memory_space<vmem_shared>>
        tpu.wait_indirect_dma semaphore(%run_scoped3A : memref<!tpu.dma_semaphore, #tpu.memory_space<semaphore_mem>>) src(%arg6 : memref<80x128xf32, #tpu.memory_space<vmem>>) dst(%dma_wait3A_88 : memref<10240x128xf32, #tpu.memory_space<vmem_shared>>)
        tpu.yield
      }) : () -> ()
      %add3A_69 = arith.constant 2 : i32
      %add3A_70 = arith.addi %mul3A_56, %add3A_69 : i32
      %mul3A_71 = arith.constant 80 : i32
      %mul3A_72 = arith.muli %add3A_70, %mul3A_71 : i32
      %add3A_73 = arith.addi %mul3A_2, %mul3A_72 : i32
      %dma_start3A_74 = tpu.memref_slice %arg2[%add3A_73] : memref<320000xi32, #tpu.memory_space<hbm>> -> memref<80xi32, #tpu.memory_space<hbm>>
      %dma_start3A_75 = tpu.memref_slice %arg2[%add3A_73] : memref<320000xi32, #tpu.memory_space<hbm>> -> memref<80xi32, #tpu.memory_space<hbm>>
      tpu.enqueue_dma source(%dma_start3A_75 : memref<80xi32, #tpu.memory_space<hbm>>) target(%arg7 : memref<80xi32, #tpu.memory_space<vmem>>) target_semaphore(%arg10 : memref<!tpu.dma_semaphore, #tpu.memory_space<semaphore_mem>>)
      %add3A_76 = arith.constant 1 : i32
      %add3A_77 = arith.addi %mul3A_56, %add3A_76 : i32
      %mul3A_78 = arith.constant 80 : i32
      %mul3A_79 = arith.muli %add3A_77, %mul3A_78 : i32
      %add3A_80 = arith.addi %mul3A_2, %mul3A_79 : i32
      %dma_wait3A_81 = tpu.memref_slice %arg2[%add3A_80] : memref<320000xi32, #tpu.memory_space<hbm>> -> memref<80xi32, #tpu.memory_space<hbm>>
      %dma_wait3A_82 = tpu.memref_slice %arg2[%add3A_80] : memref<320000xi32, #tpu.memory_space<hbm>> -> memref<80xi32, #tpu.memory_space<hbm>>
      tpu.wait_dma2 semaphore(%arg11 : memref<!tpu.dma_semaphore, #tpu.memory_space<semaphore_mem>>) src(%dma_wait3A_82 : memref<80xi32, #tpu.memory_space<hbm>>) dst(%arg8 : memref<80xi32, #tpu.memory_space<vmem>>)
      "tpu.region"() ({
        %run_scoped3A = tpu.sem_alloc : memref<!tpu.dma_semaphore, #tpu.memory_space<semaphore_mem>>
        %dma_start3A_83 = arith.constant 0 : i32
        %dma_start3A_84 = arith.constant 0 : i32
        %dma_start3A_85 = tpu.memref_slice %arg9[%dma_start3A_83, %dma_start3A_84] : memref<10240x128xf32, #tpu.memory_space<vmem_shared>> -> memref<10240x128xf32, #tpu.memory_space<vmem_shared>>
        tpu.enqueue_indirect_dma source(%arg6 : memref<80x128xf32, #tpu.memory_space<vmem>>) target(%dma_start3A_85 : memref<10240x128xf32, #tpu.memory_space<vmem_shared>>) offsets(%arg8 : memref<80xi32, #tpu.memory_space<vmem>>) semaphore(%run_scoped3A : memref<!tpu.dma_semaphore, #tpu.memory_space<semaphore_mem>>) {add = true}
        %dma_wait3A_86 = arith.constant 0 : i32
        %dma_wait3A_87 = arith.constant 0 : i32
        %dma_wait3A_88 = tpu.memref_slice %arg9[%dma_wait3A_86, %dma_wait3A_87] : memref<10240x128xf32, #tpu.memory_space<vmem_shared>> -> memref<10240x128xf32, #tpu.memory_space<vmem_shared>>
        tpu.wait_indirect_dma semaphore(%run_scoped3A : memref<!tpu.dma_semaphore, #tpu.memory_space<semaphore_mem>>) src(%arg6 : memref<80x128xf32, #tpu.memory_space<vmem>>) dst(%dma_wait3A_88 : memref<10240x128xf32, #tpu.memory_space<vmem_shared>>)
        tpu.yield
      }) : () -> ()
    }
    %scan3A_42 = arith.constant 62 : i32
    %add3A_43 = arith.constant 9920 : i32
    %add3A_44 = arith.addi %mul3A_2, %add3A_43 : i32
    %dma_wait3A = tpu.memref_slice %arg2[%add3A_44] : memref<320000xi32, #tpu.memory_space<hbm>> -> memref<80xi32, #tpu.memory_space<hbm>>
    %dma_wait3A_45 = tpu.memref_slice %arg2[%add3A_44] : memref<320000xi32, #tpu.memory_space<hbm>> -> memref<80xi32, #tpu.memory_space<hbm>>
    tpu.wait_dma2 semaphore(%arg10 : memref<!tpu.dma_semaphore, #tpu.memory_space<semaphore_mem>>) src(%dma_wait3A_45 : memref<80xi32, #tpu.memory_space<hbm>>) dst(%arg7 : memref<80xi32, #tpu.memory_space<vmem>>)
    "tpu.region"() ({
      %run_scoped3A = tpu.sem_alloc : memref<!tpu.dma_semaphore, #tpu.memory_space<semaphore_mem>>
      %dma_start3A_54 = arith.constant 0 : i32
      %dma_start3A_55 = arith.constant 0 : i32
      %dma_start3A_56 = tpu.memref_slice %arg9[%dma_start3A_54, %dma_start3A_55] : memref<10240x128xf32, #tpu.memory_space<vmem_shared>> -> memref<10240x128xf32, #tpu.memory_space<vmem_shared>>
      tpu.enqueue_indirect_dma source(%arg6 : memref<80x128xf32, #tpu.memory_space<vmem>>) target(%dma_start3A_56 : memref<10240x128xf32, #tpu.memory_space<vmem_shared>>) offsets(%arg7 : memref<80xi32, #tpu.memory_space<vmem>>) semaphore(%run_scoped3A : memref<!tpu.dma_semaphore, #tpu.memory_space<semaphore_mem>>) {add = true}
      %dma_wait3A_57 = arith.constant 0 : i32
      %dma_wait3A_58 = arith.constant 0 : i32
      %dma_wait3A_59 = tpu.memref_slice %arg9[%dma_wait3A_57, %dma_wait3A_58] : memref<10240x128xf32, #tpu.memory_space<vmem_shared>> -> memref<10240x128xf32, #tpu.memory_space<vmem_shared>>
      tpu.wait_indirect_dma semaphore(%run_scoped3A : memref<!tpu.dma_semaphore, #tpu.memory_space<semaphore_mem>>) src(%arg6 : memref<80x128xf32, #tpu.memory_space<vmem>>) dst(%dma_wait3A_59 : memref<10240x128xf32, #tpu.memory_space<vmem_shared>>)
      tpu.yield
    }) : () -> ()
    %barrier3A_46 = arith.constant 0 : index
    tpu.barrier barrier_id(%barrier3A_46)
    %mul3A_47 = arith.constant 640 : i32
    %mul3A_48 = arith.muli %arg1, %mul3A_47 : i32
    %mul3A_49 = arith.constant 10240 : i32
    %mul3A_50 = arith.muli %arg0, %mul3A_49 : i32
    %mul3A_51 = arith.constant 640 : i32
    %mul3A_52 = arith.muli %arg1, %mul3A_51 : i32
    %add3A_53 = arith.addi %mul3A_50, %mul3A_52 : i32
    "tpu.region"() ({
      %run_scoped3A = tpu.sem_alloc : memref<!tpu.dma_semaphore, #tpu.memory_space<semaphore_mem>>
      %dma_start3A_54 = arith.constant 0 : i32
      %dma_start3A_55 = tpu.memref_slice %arg5[%add3A_53, %dma_start3A_54] : memref<20480x128xf32, #tpu.memory_space<hbm>> -> memref<640x128xf32, #tpu.memory_space<hbm>>
      %dma_start3A_56 = arith.constant 0 : i32
      %dma_start3A_57 = tpu.memref_slice %arg9[%mul3A_48, %dma_start3A_56] : memref<10240x128xf32, #tpu.memory_space<vmem_shared>> -> memref<640x128xf32, #tpu.memory_space<vmem_shared>>
      tpu.enqueue_dma source(%dma_start3A_57 : memref<640x128xf32, #tpu.memory_space<vmem_shared>>) target(%dma_start3A_55 : memref<640x128xf32, #tpu.memory_space<hbm>>) target_semaphore(%run_scoped3A : memref<!tpu.dma_semaphore, #tpu.memory_space<semaphore_mem>>)
      %dma_wait3A_58 = arith.constant 0 : i32
      %dma_wait3A_59 = tpu.memref_slice %arg5[%add3A_53, %dma_wait3A_58] : memref<20480x128xf32, #tpu.memory_space<hbm>> -> memref<640x128xf32, #tpu.memory_space<hbm>>
      %dma_wait3A_60 = arith.constant 0 : i32
      %dma_wait3A_61 = tpu.memref_slice %arg9[%mul3A_48, %dma_wait3A_60] : memref<10240x128xf32, #tpu.memory_space<vmem_shared>> -> memref<640x128xf32, #tpu.memory_space<vmem_shared>>
      tpu.wait_dma2 semaphore(%run_scoped3A : memref<!tpu.dma_semaphore, #tpu.memory_space<semaphore_mem>>) src(%dma_wait3A_61 : memref<640x128xf32, #tpu.memory_space<vmem_shared>>) dst(%dma_wait3A_59 : memref<640x128xf32, #tpu.memory_space<hbm>>)
      tpu.yield
    }) : () -> ()
    return
  }
}

module attributes {stable_mosaic.version = 14 : i64} {
  func.func @_norm_body(%arg0: i32, %arg1: memref<2x1000x128xf32, #tpu.memory_space<vmem>>, %arg2: memref<1000x128xf32, #tpu.memory_space<vmem>>, %arg3: memref<1000x128xf32, #tpu.memory_space<vmem>>, %arg4: memref<1000x1xf32, #tpu.memory_space<vmem>>) attributes {dimension_semantics = [#tpu.dimension_semantics<arbitrary>], iteration_bounds = array<i64: 10>, scalar_prefetch = 0 : i64, scratch_operands = 0 : i64, tpu.core_type = #tpu.core_type<tc>, window_params = [{transform_indices = @transform_0, window_bounds = array<i64: 2, 1000, 128>}, {transform_indices = @transform_1, window_bounds = array<i64: 1000, 128>}, {transform_indices = @transform_2, window_bounds = array<i64: 1000, 128>}, {transform_indices = @transform_3, window_bounds = array<i64: 1000, 1>}]} {
    %get3A = arith.constant 0 : index
    %get3A_0 = arith.constant 0 : index
    %get3A_1 = arith.constant 0 : index
    %get3A_2 = vector.load %arg1[%get3A, %get3A_0, %get3A_1] : memref<2x1000x128xf32, #tpu.memory_space<vmem>>, vector<2x1000x128xf32>
    %slice3A = vector.extract_strided_slice %get3A_2 {offsets = [0, 0, 0], sizes = [1, 1000, 1], strides = [1, 1, 1]} : vector<2x1000x128xf32> to vector<1x1000x1xf32>
    %squeeze3A = vector.shape_cast %slice3A : vector<1x1000x1xf32> to vector<1000xf32>
    %slice3A_3 = vector.extract_strided_slice %get3A_2 {offsets = [1, 0, 0], sizes = [1, 1000, 1], strides = [1, 1, 1]} : vector<2x1000x128xf32> to vector<1x1000x1xf32>
    %squeeze3A_4 = vector.shape_cast %slice3A_3 : vector<1x1000x1xf32> to vector<1000xf32>
    %add3A = arith.addf %squeeze3A, %squeeze3A_4 : vector<1000xf32>
    %max3A = arith.constant 1.000000e+00 : f32
    %max3A_5 = vector.broadcast %max3A : f32 to vector<1000xf32>
    %max3A_6 = arith.maximumf %add3A, %max3A_5 : vector<1000xf32>
    %rsqrt3A = math.rsqrt %max3A_6 : vector<1000xf32>
    %get3A_7 = arith.constant 0 : index
    %get3A_8 = arith.constant 0 : index
    %get3A_9 = vector.load %arg2[%get3A_7, %get3A_8] : memref<1000x128xf32, #tpu.memory_space<vmem>>, vector<1000x128xf32>
    %broadcast_in_dim3A = vector.shape_cast %rsqrt3A : vector<1000xf32> to vector<1000x1xf32>
    %mul3A = vector.broadcast %broadcast_in_dim3A : vector<1000x1xf32> to vector<1000x128xf32>
    %mul3A_10 = arith.mulf %get3A_9, %mul3A : vector<1000x128xf32>
    %swap3A = arith.constant 0 : index
    %swap3A_11 = arith.constant 0 : index
    %swap3A_12 = vector.load %arg3[%swap3A, %swap3A_11] : memref<1000x128xf32, #tpu.memory_space<vmem>>, vector<1000x128xf32>
    tpu.vector_store %arg3[%swap3A, %swap3A_11], %mul3A_10 {strides = array<i32>} : memref<1000x128xf32, #tpu.memory_space<vmem>>, vector<1000x128xf32>,
    %broadcast_in_dim3A_13 = vector.shape_cast %rsqrt3A : vector<1000xf32> to vector<1000x1xf32>
    %swap3A_14 = arith.constant 0 : index
    %swap3A_15 = arith.constant 0 : index
    %swap3A_16 = vector.load %arg4[%swap3A_14, %swap3A_15] : memref<1000x1xf32, #tpu.memory_space<vmem>>, vector<1000x1xf32>
    tpu.vector_store %arg4[%swap3A_14, %swap3A_15], %broadcast_in_dim3A_13 {strides = array<i32>} : memref<1000x1xf32, #tpu.memory_space<vmem>>, vector<1000x1xf32>,
    return
  }
  func.func @transform_0(%arg0: i32) -> (i32, i32, i32) {
    %c0_i32 = arith.constant 0 : i32
    %c0_i32_0 = arith.constant 0 : i32
    %c0_i32_1 = arith.constant 0 : i32
    return %c0_i32, %arg0, %c0_i32_0 : i32, i32, i32
  }
  func.func @transform_1(%arg0: i32) -> (i32, i32) {
    %c0_i32 = arith.constant 0 : i32
    %c0_i32_0 = arith.constant 0 : i32
    return %arg0, %c0_i32 : i32, i32
  }
  func.func @transform_2(%arg0: i32) -> (i32, i32) {
    %c0_i32 = arith.constant 0 : i32
    %c0_i32_0 = arith.constant 0 : i32
    return %arg0, %c0_i32 : i32, i32
  }
  func.func @transform_3(%arg0: i32) -> (i32, i32) {
    %c0_i32 = arith.constant 0 : i32
    %c0_i32_0 = arith.constant 0 : i32
    return %arg0, %c0_i32 : i32, i32
  }
}

module attributes {stable_mosaic.version = 14 : i64} {
  func.func @_out_body(%arg0: i32, %arg1: memref<2x1000x128xf32, #tpu.memory_space<vmem>>, %arg2: memref<1000x1xf32, #tpu.memory_space<vmem>>, %arg3: memref<128x128xf32, #tpu.memory_space<vmem>>, %arg4: memref<1x128xf32, #tpu.memory_space<vmem>>, %arg5: memref<1000x128xf32, #tpu.memory_space<vmem>>) attributes {dimension_semantics = [#tpu.dimension_semantics<arbitrary>], iteration_bounds = array<i64: 10>, scalar_prefetch = 0 : i64, scratch_operands = 0 : i64, tpu.core_type = #tpu.core_type<tc>, window_params = [{transform_indices = @transform_0, window_bounds = array<i64: 2, 1000, 128>}, {transform_indices = @transform_1, window_bounds = array<i64: 1000, 1>}, {pipeline_mode = #tpu.pipeline_mode<synchronous>, transform_indices = @transform_2, window_bounds = array<i64: 128, 128>}, {pipeline_mode = #tpu.pipeline_mode<synchronous>, transform_indices = @transform_3, window_bounds = array<i64: 1, 128>}, {transform_indices = @transform_4, window_bounds = array<i64: 1000, 128>}]} {
    %get3A = arith.constant 0 : index
    %get3A_0 = arith.constant 0 : index
    %get3A_1 = arith.constant 0 : index
    %get3A_2 = vector.load %arg1[%get3A, %get3A_0, %get3A_1] : memref<2x1000x128xf32, #tpu.memory_space<vmem>>, vector<2x1000x128xf32>
    %slice3A = vector.extract_strided_slice %get3A_2 {offsets = [0, 0, 0], sizes = [1, 1000, 128], strides = [1, 1, 1]} : vector<2x1000x128xf32> to vector<1x1000x128xf32>
    %squeeze3A = vector.shape_cast %slice3A : vector<1x1000x128xf32> to vector<1000x128xf32>
    %slice3A_3 = vector.extract_strided_slice %get3A_2 {offsets = [1, 0, 0], sizes = [1, 1000, 128], strides = [1, 1, 1]} : vector<2x1000x128xf32> to vector<1x1000x128xf32>
    %squeeze3A_4 = vector.shape_cast %slice3A_3 : vector<1x1000x128xf32> to vector<1000x128xf32>
    %add3A = arith.addf %squeeze3A, %squeeze3A_4 : vector<1000x128xf32>
    %get3A_5 = arith.constant 0 : index
    %get3A_6 = arith.constant 0 : index
    %get3A_7 = vector.load %arg2[%get3A_5, %get3A_6] : memref<1000x1xf32, #tpu.memory_space<vmem>>, vector<1000x1xf32>
    %mul3A = vector.broadcast %get3A_7 : vector<1000x1xf32> to vector<1000x128xf32>
    %mul3A_8 = arith.mulf %add3A, %mul3A : vector<1000x128xf32>
    %get3A_9 = arith.constant 0 : index
    %get3A_10 = arith.constant 0 : index
    %get3A_11 = vector.load %arg3[%get3A_9, %get3A_10] : memref<128x128xf32, #tpu.memory_space<vmem>>, vector<128x128xf32>
    %dot_general3A = arith.constant dense<0.000000e+00> : vector<1000x128xf32>
    %dot_general3A_12 = tpu.matmul %mul3A_8, %get3A_11, %dot_general3A {dimension_numbers = #tpu.dot_dimension_numbers<[1], [1], [0], [0], [0, 0, 1, 0], [], []>, transpose_lhs_hint = false} : vector<1000x128xf32>, vector<128x128xf32>, vector<1000x128xf32> -> vector<1000x128xf32>
    %get3A_13 = arith.constant 0 : index
    %get3A_14 = arith.constant 0 : index
    %get3A_15 = vector.load %arg4[%get3A_13, %get3A_14] : memref<1x128xf32, #tpu.memory_space<vmem>>, vector<1x128xf32>
    %add3A_16 = vector.broadcast %get3A_15 : vector<1x128xf32> to vector<1000x128xf32>
    %add3A_17 = arith.addf %dot_general3A_12, %add3A_16 : vector<1000x128xf32>
    %swap3A = arith.constant 0 : index
    %swap3A_18 = arith.constant 0 : index
    %swap3A_19 = vector.load %arg5[%swap3A, %swap3A_18] : memref<1000x128xf32, #tpu.memory_space<vmem>>, vector<1000x128xf32>
    tpu.vector_store %arg5[%swap3A, %swap3A_18], %add3A_17 {strides = array<i32>} : memref<1000x128xf32, #tpu.memory_space<vmem>>, vector<1000x128xf32>,
    return
  }
  func.func @transform_0(%arg0: i32) -> (i32, i32, i32) {
    %c0_i32 = arith.constant 0 : i32
    %c0_i32_0 = arith.constant 0 : i32
    %c0_i32_1 = arith.constant 0 : i32
    return %c0_i32, %arg0, %c0_i32_0 : i32, i32, i32
  }
  func.func @transform_1(%arg0: i32) -> (i32, i32) {
    %c0_i32 = arith.constant 0 : i32
    %c0_i32_0 = arith.constant 0 : i32
    return %arg0, %c0_i32 : i32, i32
  }
  func.func @transform_2(%arg0: i32) -> (i32, i32) {
    %c0_i32 = arith.constant 0 : i32
    %c0_i32_0 = arith.constant 0 : i32
    %c0_i32_1 = arith.constant 0 : i32
    return %c0_i32, %c0_i32_0 : i32, i32
  }
  func.func @transform_3(%arg0: i32) -> (i32, i32) {
    %c0_i32 = arith.constant 0 : i32
    %c0_i32_0 = arith.constant 0 : i32
    %c0_i32_1 = arith.constant 0 : i32
    return %c0_i32, %c0_i32_0 : i32, i32
  }
  func.func @transform_4(%arg0: i32) -> (i32, i32) {
    %c0_i32 = arith.constant 0 : i32
    %c0_i32_0 = arith.constant 0 : i32
    return %arg0, %c0_i32 : i32, i32
  }
}

</mosaic_0001>

<sc_bundles>
// kernel: kernel.6.cloned.1.call-start
scs
__scs_entry_jumppad:
0x0: {  	(pc) =	sbr.rel $0x88, $3  }
0x1: {  	(tag) =	ssettag $0x0;
	lr =	simm.s32 $0x1  }
0x2: {  	[smem:$0x3F9D] =	sst lr;
	_ =	strace $0xD0000000  }
0x3: {  	_ = 	snop  }
0x4: {  	_ = 	snop  }
0x5: {  	_ = 	snop  }
0x6: {  	_ = 	snop  }
0x7: {  	_ = 	snop  }
__scs_overlays_trampoline_lowered:
0x8: {  	[smem:$0x3FAC] =	sst s0  }
0x9: {  	[smem:$0x3FAD] =	sst s1  }
0xa: {  	[smem:$0x3FAE] =	sst s2  }
0xb: {  	[smem:$0x3FAF] =	sst s3  }
0xc: {  	[smem:$0x3FB0] =	sst s4  }
0xd: {  	[smem:$0x3FB1] =	sst s5  }
0xe: {  	[smem:$0x3FB2] =	sst s6  }
0xf: {  	[smem:$0x3FB3] =	sst s7  }
0x10: {  	[smem:$0x3FB4] =	sst s8  }
0x11: {  	[smem:$0x3FB5] =	sst s9;
	s0 =	simm.s32 @!p0 $0x0  }
0x12: {  	s1 =	sld [smem:$0x3F9B];
	s0 =	simm.s32 @p0 $0x1  }
0x13: {  	[smem:$0x3FB6] =	sst s0;
	s0 =	simm.s32 @!p1 $0x0  }
0x14: {  	s2 =	sld [smem:$0x3F9A];
	s0 =	simm.s32 @p1 $0x1  }
0x15: {  	[smem:$0x3FB7] =	sst s0;
	s0 =	simm.s32 @!p2 $0x0  }
0x16: {  	s3 =	sld [smem:$0x3FDB];
	s0 =	simm.s32 @p2 $0x1  }
0x17: {  	s4 =	simm.s32 $0x1BF5;
	[smem:$0x3FB9] =	sst s0  }
0x18: {  	s0 =	sld [smem:$0x3F9C];
	_ =	swait.ge [sflag:s4], $0x0  }
0x19: {  	s7 =	sld [smem:$0x3F9D]  }
0x1a: {  	s8 =	sadd.s32 $0xFFFFE003, lr  }
0x1b: {  	s9 =	sadd.s32 $0xFFFFFEF7, lr;
	s5 =	simm.s32 $0xFFFFFFFF;
	p2 =	slt.u32 s8, $0xFFFFF086  }
0x1c: {  	p1 =	slt.u32 s9, $0xF7A;
	s5 =	simm.s32 @!p2 $0x0  }
0x1d: {  	s5 =	simm.s32 @p1 $0x1;
	p0 =	seq.s32 s7, s2  }
0x1e: {  	s7 =	smul.u32 @!p0 $0xF7A, s2;
	p2 =	seq.s32 @!p0 s5, $0x0  }
0x1f: {  	s9 =	smul.u32 $0xF7A, s1;
	s8 =	simm.s32 @!p0 $0x1BF5;
	p2 =	por !p2, p0  }
0x20: {  	[sflag:s8] =	ssyncset.s32 @!p0 $0xFFFFF086;
	s6 =	sadd.s32 @!p0 s3, s7;
	s7 =	simm.s32 @!p0 $0x108  }
0x21: {  	s3 =	sadd.s32 s3, s9;
	s6 =	sadd.s32 @!p0 $0x88, s6;
	s7 =	simm.s32 @p2 $0x1082  }
0x22: {  	[simem:s7], [sflag:s8] =	dma.local @!p0 [hbm:s6], $0xF7A  }
0x23: {  	s9 =	sor.u32 $0xD0000000, s2;
	s6 =	simm.s32 $0x108;
	_ =	swait.ge @!p0 [sflag:s8], $0x0  }
0x24: {  	s3 =	sadd.s32 $0x88, s3;
	s6 =	simm.s32 @!p1 $0x1082;
	[sflag:s4] =	ssyncset.s32 $0xFFFFF086  }
0x25: {  	[simem:s6], [sflag:s4] =	dma.local [hbm:s3], $0xF7A  }
0x26: {  	[smem:$0x3F9D] =	sst s1;
	(tag) =	ssettag s2;
	_ =	strace s9  }
0x27: {  	s1 =	sld [smem:$0x3FAD]  }
0x28: {  	s2 =	sld [smem:$0x3FAE]  }
0x29: {  	s4 =	sld [smem:$0x3FB0]  }
0x2a: {  	p0 =	seq.s32 s5, $0x0;
	s5 =	sld [smem:$0x3FB1]  }
0x2b: {  	s6 =	sld [smem:$0x3FB2]  }
0x2c: {  	s7 =	sld [smem:$0x3FB3]  }
0x2d: {  	s3 =	simm.s32 $0x108;
	s8 =	sld [smem:$0x3FB4]  }
0x2e: {  	s3 =	simm.s32 @!p0 $0x1082;
	s9 =	sld [smem:$0x3FB5]  }
0x2f: {  	lr =	sadd.s32 s0, s3;
	s0 =	sld [smem:$0x3FAC]  }
0x30: {  	s3 =	sld [smem:$0x3FAF]  }
0x31: {  	[smem:$0x3FB8] =	sst s10  }
0x32: {  	s10 =	sld [smem:$0x3FB6];
	_ =	sdelay $0x3  }
0x33: {  	p0 =	seq.s32 s10, $0x1;
	s10 =	sld [smem:$0x3FB8];
	_ =	sdelay $0x3  }
0x34: {  	[smem:$0x3FB8] =	sst s10  }
0x35: {  	s10 =	sld [smem:$0x3FB7];
	_ =	sdelay $0x3  }
0x36: {  	p1 =	seq.s32 s10, $0x1;
	s10 =	sld [smem:$0x3FB8];
	_ =	sdelay $0x3  }
0x37: {  	[smem:$0x3FB8] =	sst s10  }
0x38: {  	s10 =	sld [smem:$0x3FB9]  }
0x39: {  	_ = 	snop;
	(pc) =	sbr.ind lr, $3  }
0x3a: {  	_ = 	snop  }
0x3b: {  	_ = 	snop  }
0x3c: {  	p2 =	seq.s32 s10, $0x1;
	s10 =	sld [smem:$0x3FB8]  }
0x3d: {  	_ =	shalt  }
0x3e: {  	_ =	shalt  }
0x3f: {  	_ =	shalt  }
0x40: {  	_ =	shalt  }
0x41: {  	_ =	shalt  }
0x42: {  	_ =	shalt  }
0x43: {  	_ =	shalt  }
0x44: {  	_ =	shalt  }
0x45: {  	_ =	shalt  }
0x46: {  	_ =	shalt  }
0x47: {  	_ =	shalt  }
0x48: {  	_ =	shalt  }
0x49: {  	_ =	shalt  }
0x4a: {  	_ =	shalt  }
0x4b: {  	_ =	shalt  }
0x4c: {  	_ =	shalt  }
0x4d: {  	_ =	shalt  }
0x4e: {  	_ =	shalt  }
0x4f: {  	_ =	shalt  }
0x50: {  	_ =	shalt  }
0x51: {  	_ =	shalt  }
0x52: {  	_ =	shalt  }
0x53: {  	_ =	shalt  }
0x54: {  	_ =	shalt  }
0x55: {  	_ =	shalt  }
0x56: {  	_ =	shalt  }
0x57: {  	_ =	shalt  }
0x58: {  	_ =	shalt  }
0x59: {  	_ =	shalt  }
0x5a: {  	_ =	shalt  }
0x5b: {  	_ =	shalt  }
0x5c: {  	_ =	shalt  }
0x5d: {  	_ =	shalt  }
0x5e: {  	_ =	shalt  }
0x5f: {  	_ =	shalt  }
0x60: {  	_ =	shalt  }
0x61: {  	_ =	shalt  }
0x62: {  	_ =	shalt  }
0x63: {  	_ =	shalt  }
0x64: {  	_ =	shalt  }
0x65: {  	_ =	shalt  }
0x66: {  	_ =	shalt  }
0x67: {  	_ =	shalt  }
0x68: {  	_ =	shalt  }
0x69: {  	_ =	shalt  }
0x6a: {  	_ =	shalt  }
0x6b: {  	_ =	shalt  }
0x6c: {  	_ =	shalt  }
0x6d: {  	_ =	shalt  }
0x6e: {  	_ =	shalt  }
0x6f: {  	_ =	shalt  }
0x70: {  	_ =	shalt  }
0x71: {  	_ =	shalt  }
0x72: {  	_ =	shalt  }
0x73: {  	_ =	shalt  }
0x74: {  	_ =	shalt  }
0x75: {  	_ =	shalt  }
0x76: {  	_ =	shalt  }
0x77: {  	_ =	shalt  }
0x78: {  	_ =	shalt  }
0x79: {  	_ =	shalt  }
0x7a: {  	_ =	shalt  }
0x7b: {  	_ =	shalt  }
0x7c: {  	_ =	shalt  }
0x7d: {  	_ =	shalt  }
0x7e: {  	_ =	shalt  }
0x7f: {  	_ =	shalt  }
0x80: {  	_ =	shalt  }
0x81: {  	_ =	shalt  }
0x82: {  	_ =	shalt  }
0x83: {  	_ =	shalt  }
0x84: {  	_ =	shalt  }
0x85: {  	_ =	shalt  }
0x86: {  	_ =	shalt  }
0x87: {  	_ =	shalt  }
.Lfunc_end0:
.L_simem_size_0:
called_computation_lowered:
.L_overlay_start_0:
0x88: {  	s2 =	sld [smem:$0x3FD9]  }
0x89: {  	s3 =	sld [smem:$0x3FFE];
	_ =	sdelay $0x1  }
0x8a: {  	s1 =	srdreg.scid  }
0x8b: {  	s0 =	sand.u32 $0x1, s1  }
0x8c: {  	s17 =	sshll.u32 s0, $0xA;
	s2 =	sadd.s32 s3, s2  }
0x8d: {  	s2 =	sadd.s32 s2, s17  }
0x8e: {  	[smem:$0x3FC4] =	sst s2  }
0x8f: {  	_ = 	snop  }
0x90: {  	s2 =	sld [smem:$0x3FD0];
	(tm) =	ssettm $0x1  }
0x91: {  	s18 =	sld [smem:$0x3FFB];
	_ =	sdelay $0x3  }
0x92: {  	_ =	strace s18  }
0x93: {  	s3 =	sld [smem:$0x3FFC];
	_ =	sdelay $0x3  }
0x94: {  	_ =	strace s3  }
0x95: {  	s3 =	sld [smem:$0x3FFD];
	_ =	sdelay $0x3  }
0x96: {  	_ =	strace s3  }
0x97: {  	_ =	strace $0x8FFFFFFF  }
0x98: {  	s19 =	sld [smem:$0x3FDB];
	_ =	sdelay $0x1  }
0x99: {  	s4 =	simm.s32 $_scs_section_size  }
0x9a: {  	s5 =	simm.s32 $_size__tile_overlayer_lowered;
	s6 =	simm.s32 $_tile_overlayer_lowered  }
0x9b: {  	s22 =	simm.s32 $0x1BFF;
	s21 =	sshll.u32 s6, $0x1;
	s3 =	sadd.s32 s4, s19  }
0x9c: {  	s7 =	simm.s32 $0x0;
	s20 =	sshll.u32 s5, $0x1;
	s5 =	sadd.s32 s21, s3  }
0x9d: {  	[timem:s7], [sflag:s22] =	dma.local [hbm:s5], s20  }
0x9e: {  	_ =	swait.ge [sflag:s22], s20  }
0x9f: {  	s4 =	ssub.s32 $0x0, s20;
	[sflag:s22] =	ssyncset.done $0x0  }
0xa0: {  	[sflag:s22] =	ssyncadd.s32 s4;
	_ =	sdelay $0x1  }
0xa1: {  	s23 =	simm.s32 $0x1B8B  }
0xa2: {  	_ =	swait.ge [sflag:s23], $0x1  }
0xa3: {  	[sflag:s23] =	ssyncset.done $0x0  }
0xa4: {  	s25 =	simm.s32 $0x1B8E;
	s24 =	sld [smem:$0x3FFE];
	[sflag:s23] =	ssyncadd.s32 $0xFFFFFFFF  }
0xa5: {  	s26 =	simm.s32 $execute0_lowered;
	[smem:$0x3FD2] =	sst s25  }
0xa6: {  	s5 =	sshll.u32 s26, $0x1;
	_ =	strace $0x80000046;
	[dreg:$0x1] =	wrdreg $0xFFFFFFFF  }
0xa7: {  	s28 =	simm.s32 $_size_execute0_lowered;
	s3 =	sadd.s32 s3, s5;
	[dreg:$0x0] =	wrdreg $0x0  }
0xa8: {  	s5 =	sshll.u32 s28, $0x1;
	[dreg:$0x2] =	wrdreg s3  }
0xa9: {  	[dreg:$0x3] =	wrdreg s5  }
0xaa: {  	[dreg:$0x4] =	wrdreg $0xC0  }
0xab: {  	_ =	task [dreg:s7], $0x5FFFF  }
0xac: {  	[dreg:$0x1] =	wrdreg $0xFFFFFFFF  }
0xad: {  	[dreg:$0x0] =	wrdreg $0x60  }
0xae: {  	[dreg:$0x2] =	wrdreg s24  }
0xaf: {  	[dreg:$0x3] =	wrdreg s2  }
0xb0: {  	[dreg:$0x4] =	wrdreg $0x29000  }
0xb1: {  	[dreg:$0x5] =	wrdreg $0x9  }
0xb2: {  	_ =	task.clear_ibuf [dreg:s7], $0x6FFFF;
	_ =	strace $0x90000046  }
0xb3: {  	s29 =	simm.s32 $0x9;
	_ =	strace $0x80000048  }
0xb4: {  	_ =	swait.ge [sflag:s29], $0x1  }
0xb5: {  	[sflag:s29] =	ssyncadd.s32 $0xFFFFFFFF  }
0xb6: {  	_ =	strace $0x90000048  }
0xb7: {  	_ =	sfence  }
0xb8: {  	s30 =	sld [smem:$0x0];
	_ =	sdelay $0x2  }
0xb9: {  	s31 =	sshll.u32 s1, $0xD;
	s1 =	sshrl.u32 s1, $0x2  }
0xba: {  	s3 =	sand.u32 $0x4000, s31;
	s1 =	sadd.s32 s1, s30  }
0xbb: {  	s0 =	sor.u32 s3, s0;
	s1 =	sshll.u32 s1, $0x11  }
0xbc: {  	s0 =	sor.u32 s1, s0  }
0xbd: {  	s0 =	sadd.s32 $0x8F2B, s0  }
0xbe: {  	[sflag:s0] =	ssyncadd.remote.s32 $0x1  }
0xbf: {  	_ =	sfence.sel $0xFFFF  }
0xc0: {  	[dreg:$0x0] =	wrdreg $0xFFFFFFFF;
	(pc) =	sbr.abs _section_cstart, $3  }
0xc1: {  	[dreg:$0x1] =	wrdreg $0xFFFFFFFF  }
0xc2: {  	_ =	task.clear_ibuf [dreg:s7], $0x2FFFF;
	_ =	strace $0x9FFFFFFF  }
0xc3: {  	(tm) =	ssettm $0x7FFFFFFF  }
tec
execute0_lowered:
.L_overlay_start_1:
0x0: {  	(tag) =	ssettag $0x1  }
0x1: {  	s7 =	rddreg [dreg:$0x0]  }
0x2: {  	s2 =	rddreg [dreg:$0x1]  }
0x3: {  	s3 =	rddreg [dreg:$0x2]  }
0x4: {  	s5 =	srdreg.scid;
	s0 =	stileid.u32;
	s4 =	simm.s32 $0x0  }
0x5: {  	s20 =	simm.s32 $0x3;
	s21 =	simm.s32 $0x2800;
	s22 =	simm.s32 $0x2880  }
0x6: {  	s23 =	simm.s32 $0x1;
	s24 =	simm.s32 $0x50;
	s6 =	smul.u32 $0x2800, s0  }
0x7: {  	s28 =	simm.s32 $0x0;
	s9 =	sand.u32 $0x1, s5;
	s11 =	smul.u32 $0x50000, s0  }
0x8: {  	[smem:$0x7FF] =	sst s4;
	s5 =	sadd.s32 $0xB000, s7;
	s14 =	smul.u32 $0x4E20, s0  }
0x9: {  	s10 =	sshll.u32 s0, $0x1;
	s25 =	sshll.u32 s0, $0x6;
	s8 =	smul.u32 $0x28000, s9  }
0xa: {  	_ =	strace $0x80000047;
	s26 =	sor.u32 s9, s10;
	s18 =	smul.u32 $0x2710, s9  }
0xb: {  	s29 =	ssub.s32 $0x2, s9;
	s25 =	sor.u32 $0x1C03, s25;
	s15 =	smul.u32 $0x2710, s26  }
0xc: {  	s30 =	sshrl.u32 s11, $0x2;
	s31 =	sshrl.u32 s29, $0x1;
	s26 =	simm.s32 $0x2  }
0xd: {  	s8 =	sadd.s32 s6, s8;
	s6 =	sadd.s32 $0x14E00, s7;
	s17 =	ssub.s32 s29, s31  }
0xe: {  	s18 =	sadd.s32 s18, s14;
	s16 =	sadd.s32 s8, s7;
	s7 =	sadd.s32 s30, s3  }
0xf: {  	s15 =	sshrl.u32 s15, $0x3;
	s19 =	sadd.s32 $0x50, s18;
	s17 =	smax.u32 s17, $0x1  }
0x10: {  	s18 =	sadd.s32 $0xA0, s18;
	s8 =	sadd.s32 $0x2800, s7;
	s9 =	sadd.s32 $0x5000, s7  }
0x11: {  	s10 =	sadd.s32 $0x7800, s7;
	s11 =	sadd.s32 $0xA000, s7;
	s12 =	sadd.s32 $0xC800, s7  }
0x12: {  	s13 =	sadd.s32 $0xF000, s7;
	s14 =	sadd.s32 $0x11800, s7;
	s19 =	sshrl.u32 s19, $0x3  }
0x13: {  	s15 =	sadd.s32 s5, s15;
	s16 =	sadd.s32 $0x15400, s16;
	s19 =	sadd.s32 s19, s5  }
.LBB2_1:
0x14: {  	[tilespmem:s4], [sflag:$0x3] =	stream.linear.gather [hbm4b:s6+s4], $0x2800, $0x38;
	[tilespmem:$0x16900] =	vst v63  }
0x15: {  	_ =	swait.ge [sflag:s20], $0x2800  }
0x16: {  	[sflag:s20] =	ssyncset.done $0x0  }
0x17: {  	[sflag:s20] =	ssyncadd.s32 $0xFFFFD800  }
0x18: {  	[spmem:s7] =	stream.linear.scatter [tilespmem:s4], [sflag:$0x3], $0x2800, $0x38;
	[tilespmem:$0x16900] =	vst v63  }
0x19: {  	_ =	swait.ge [sflag:s20], $0x2800  }
0x1a: {  	[sflag:s20] =	ssyncset.done $0x0  }
0x1b: {  	[sflag:s20] =	ssyncadd.s32 $0xFFFFD800  }
0x1c: {  	[spmem:s8] =	stream.linear.scatter [tilespmem:s4], [sflag:$0x3], $0x2800, $0x38;
	[tilespmem:$0x16900] =	vst v63  }
0x1d: {  	_ =	swait.ge [sflag:s20], $0x2800  }
0x1e: {  	[sflag:s20] =	ssyncset.done $0x0  }
0x1f: {  	[sflag:s20] =	ssyncadd.s32 $0xFFFFD800  }
0x20: {  	[spmem:s9] =	stream.linear.scatter [tilespmem:s4], [sflag:$0x3], $0x2800, $0x38;
	[tilespmem:$0x16900] =	vst v63  }
0x21: {  	_ =	swait.ge [sflag:s20], $0x2800  }
0x22: {  	[sflag:s20] =	ssyncset.done $0x0  }
0x23: {  	[sflag:s20] =	ssyncadd.s32 $0xFFFFD800  }
0x24: {  	[spmem:s10] =	stream.linear.scatter [tilespmem:s4], [sflag:$0x3], $0x2800, $0x38;
	[tilespmem:$0x16900] =	vst v63  }
0x25: {  	_ =	swait.ge [sflag:s20], $0x2800  }
0x26: {  	[sflag:s20] =	ssyncset.done $0x0  }
0x27: {  	[sflag:s20] =	ssyncadd.s32 $0xFFFFD800  }
0x28: {  	[spmem:s11] =	stream.linear.scatter [tilespmem:s4], [sflag:$0x3], $0x2800, $0x38;
	[tilespmem:$0x16900] =	vst v63  }
0x29: {  	_ =	swait.ge [sflag:s20], $0x2800  }
0x2a: {  	[sflag:s20] =	ssyncset.done $0x0  }
0x2b: {  	[sflag:s20] =	ssyncadd.s32 $0xFFFFD800  }
0x2c: {  	[spmem:s12] =	stream.linear.scatter [tilespmem:s4], [sflag:$0x3], $0x2800, $0x38;
	[tilespmem:$0x16900] =	vst v63  }
0x2d: {  	_ =	swait.ge [sflag:s20], $0x2800  }
0x2e: {  	[sflag:s20] =	ssyncset.done $0x0  }
0x2f: {  	[sflag:s20] =	ssyncadd.s32 $0xFFFFD800  }
0x30: {  	[spmem:s13] =	stream.linear.scatter [tilespmem:s4], [sflag:$0x3], $0x2800, $0x38;
	[tilespmem:$0x16900] =	vst v63  }
0x31: {  	_ =	swait.ge [sflag:s20], $0x2800  }
0x32: {  	[sflag:s20] =	ssyncset.done $0x0  }
0x33: {  	[sflag:s20] =	ssyncadd.s32 $0xFFFFD800  }
0x34: {  	[spmem:s14] =	stream.linear.scatter [tilespmem:s4], [sflag:$0x3], $0x2800, $0x38;
	[tilespmem:$0x16900] =	vst v63  }
0x35: {  	_ =	swait.ge [sflag:s20], $0x2800  }
0x36: {  	[sflag:s20] =	ssyncset.done $0x0  }
0x37: {  	[sflag:s20] =	ssyncadd.s32 $0xFFFFD800  }
0x38: {  	[tilespmem:s4], [sflag:$0x3] =	stream.linear.gather [hbm4b:s2+s4], $0x2800, $0x38;
	[tilespmem:$0x16900] =	vst v63  }
0x39: {  	_ =	swait.ge [sflag:s20], $0x2800  }
0x3a: {  	[sflag:s20] =	ssyncset.done $0x0  }
0x3b: {  	[sflag:s20] =	ssyncadd.s32 $0xFFFFD800  }
0x3c: {  	[bflag:$0x0] =	sbarrier.arrive $0xFFFF  }
0x3d: {  	[tilespmem:s21], [sflag:$0x1] =	stream.linear.gather [hbm4b:s15+s4], $0x50, $0x38;
	[tilespmem:$0x16900] =	vst v63  }
0x3e: {  	s29 =	sadd.s32 $0x0, s19  }
0x3f: {  	[tilespmem:s22], [sflag:$0x2] =	stream.linear.gather [hbm4b:s29+s4], $0x50, $0x38;
	[tilespmem:$0x16900] =	vst v63  }
0x40: {  	_ =	swait.ge [sflag:s23], $0x50  }
0x41: {  	[sflag:s23] =	ssyncset.done $0x0  }
0x42: {  	[sflag:s23] =	ssyncadd.s32 $0xFFFFFFB0  }
0x43: {  	[spmem:s3] =	stream.indirect.scatter.add.f32 [tilespmem:s4], [sflag:$0x3], $0x80, s21, s24, $0xb8;
	[tilespmem:$0x16900] =	vst v63  }
0x44: {  	_ =	swait.ge [sflag:s20], $0x2800  }
0x45: {  	s29 =	sshrl.u32 s18, $0x3;
	[sflag:s20] =	ssyncset.done $0x0  }
0x46: {  	s29 =	sadd.s32 s5, s29;
	[sflag:s20] =	ssyncadd.s32 $0xFFFFD800  }
0x47: {  	[tilespmem:s21], [sflag:$0x1] =	stream.linear.gather [hbm4b:s29+s4], $0x50, $0x38;
	[tilespmem:$0x16900] =	vst v63  }
0x48: {  	_ =	swait.ge [sflag:s26], $0x50  }
0x49: {  	[sflag:s26] =	ssyncset.done $0x0  }
0x4a: {  	[sflag:s26] =	ssyncadd.s32 $0xFFFFFFB0  }
0x4b: {  	[spmem:s3] =	stream.indirect.scatter.add.f32 [tilespmem:s4], [sflag:$0x3], $0x80, s22, s24, $0xb8;
	[tilespmem:$0x16900] =	vst v63  }
0x4c: {  	s30 =	simm.s32 $0x14;
	_ =	swait.ge [sflag:s20], $0x2800  }
0x4d: {  	s31 =	simm.s32 $0x28;
	s29 =	sadd.s32 $0xA0, s18;
	[sflag:s20] =	ssyncset.done $0x0  }
.LBB2_2:
0x4e: {  	s0 =	sadd.s32 s30, s19  }
0x4f: {  	[sflag:s20] =	ssyncadd.s32 $0xFFFFD800;
	s30 =	smov.u32 s31;
	s1 =	sadd.s32 $0x14, s31  }
0x50: {  	[tilespmem:s22], [sflag:$0x2] =	stream.linear.gather [hbm4b:s0+s4], $0x50, $0x38;
	[tilespmem:$0x16900] =	vst v63  }
0x51: {  	p0 =	sne.s32 s31, $0x4C4;
	_ =	swait.ge [sflag:s23], $0x50  }
0x52: {  	[sflag:s23] =	ssyncset.done $0x0  }
0x53: {  	[sflag:s23] =	ssyncadd.s32 $0xFFFFFFB0  }
0x54: {  	[spmem:s3] =	stream.indirect.scatter.add.f32 [tilespmem:s4], [sflag:$0x3], $0x80, s21, s24, $0xb8;
	[tilespmem:$0x16900] =	vst v63  }
0x55: {  	_ =	swait.ge [sflag:s20], $0x2800  }
0x56: {  	s0 =	sshrl.u32 s29, $0x3;
	[sflag:s20] =	ssyncset.done $0x0  }
0x57: {  	s0 =	sadd.s32 s5, s0;
	[sflag:s20] =	ssyncadd.s32 $0xFFFFD800  }
0x58: {  	[tilespmem:s21], [sflag:$0x1] =	stream.linear.gather [hbm4b:s0+s4], $0x50, $0x38;
	[tilespmem:$0x16900] =	vst v63  }
0x59: {  	_ =	swait.ge [sflag:s26], $0x50  }
.Ltmp0:
0x5a: {  	[sflag:s26] =	ssyncset.done $0x0;
	(pc) =	sbr.rel @p0 .LBB2_2-.Ltmp0, $4  }
0x5b: {  	[sflag:s26] =	ssyncadd.s32 $0xFFFFFFB0  }
0x5c: {  	[spmem:s3] =	stream.indirect.scatter.add.f32 [tilespmem:s4], [sflag:$0x3], $0x80, s22, s24, $0xb8;
	[tilespmem:$0x16900] =	vst v63  }
0x5d: {  	_ =	swait.ge [sflag:s20], $0x2800  }
0x5e: {  	s29 =	sadd.s32 $0xA0, s29;
	s31 =	smov.u32 s1;
	[sflag:s20] =	ssyncset.done $0x0  }
0x5f: {  	s0 =	sadd.s32 s30, s19;
	[sflag:s20] =	ssyncadd.s32 $0xFFFFD800  }
0x60: {  	[tilespmem:s22], [sflag:$0x2] =	stream.linear.gather [hbm4b:s0+s4], $0x50, $0x38;
	[tilespmem:$0x16900] =	vst v63  }
0x61: {  	_ =	swait.ge [sflag:s23], $0x50  }
0x62: {  	[sflag:s23] =	ssyncset.done $0x0  }
0x63: {  	[sflag:s23] =	ssyncadd.s32 $0xFFFFFFB0  }
0x64: {  	[spmem:s3] =	stream.indirect.scatter.add.f32 [tilespmem:s4], [sflag:$0x3], $0x80, s21, s24, $0xb8;
	[tilespmem:$0x16900] =	vst v63  }
0x65: {  	_ =	swait.ge [sflag:s20], $0x2800  }
0x66: {  	s30 =	sshrl.u32 s29, $0x3;
	[sflag:s20] =	ssyncset.done $0x0  }
0x67: {  	s0 =	sadd.s32 s5, s30;
	[sflag:s20] =	ssyncadd.s32 $0xFFFFD800  }
0x68: {  	[tilespmem:s21], [sflag:$0x1] =	stream.linear.gather [hbm4b:s0+s4], $0x50, $0x38;
	[tilespmem:$0x16900] =	vst v63  }
0x69: {  	_ =	swait.ge [sflag:s26], $0x50  }
0x6a: {  	[sflag:s26] =	ssyncset.done $0x0  }
0x6b: {  	[sflag:s26] =	ssyncadd.s32 $0xFFFFFFB0  }
0x6c: {  	[spmem:s3] =	stream.indirect.scatter.add.f32 [tilespmem:s4], [sflag:$0x3], $0x80, s22, s24, $0xb8;
	[tilespmem:$0x16900] =	vst v63  }
0x6d: {  	_ =	swait.ge [sflag:s20], $0x2800  }
0x6e: {  	[sflag:s20] =	ssyncset.done $0x0  }
0x6f: {  	[sflag:s20] =	ssyncadd.s32 $0xFFFFD800  }
0x70: {  	_ =	swait.ge [sflag:s23], $0x50  }
0x71: {  	[sflag:s23] =	ssyncset.done $0x0  }
0x72: {  	[sflag:s23] =	ssyncadd.s32 $0xFFFFFFB0  }
0x73: {  	[spmem:s3] =	stream.indirect.scatter.add.f32 [tilespmem:s4], [sflag:$0x3], $0x80, s21, s24, $0xb8;
	[tilespmem:$0x16900] =	vst v63  }
0x74: {  	_ =	swait.ge [sflag:s20], $0x2800  }
0x75: {  	s28 =	sadd.s32 $0x1, s28;
	[sflag:s20] =	ssyncset.done $0x0  }
0x76: {  	p0 =	sne.s32 s28, s17;
	[sflag:s20] =	ssyncadd.s32 $0xFFFFD800  }
.Ltmp1:
0x77: {  	s31 =	sshrl.u32 s7, $0x3;
	[bflag:$0x0] =	sbarrier.arrive $0xFFFF;
	(pc) =	sbr.rel @p0 .LBB2_1-.Ltmp1, $4  }
0x78: {  	[hbm:s16], [sflag:s25] =	dma.local [spmem:s31], $0x2800  }
0x79: {  	_ =	swait.ge [sflag:s20], $0x2800  }
0x7a: {  	[sflag:s20] =	ssyncset.done $0x0  }
0x7b: {  	[sflag:s20] =	ssyncadd.s32 $0xFFFFD800  }
0x7c: {  	_ =	sfence.sel $0x180000  }
0x7d: {  	[bflag:$0x0] =	sbarrier.arrive $0xFFFF  }
0x7e: {  	_ =	strace $0x90000047  }
0x7f: {  	s0 =	stileid.u32;
	[bflag:$0x2] =	sbarrier.arrive $0xFFFF  }
0x80: {  	p0 =	sne.s32 s0, $0x0;
	s0 =	rddreg [dreg:$0x3]  }
0x81: {  	s0 =	sadd.s32 @!p0 $0x100000, s0  }
0x82: {  	[sflag:s0] =	ssyncadd.tile.s32 @!p0 $0x1;
	_ =	shalt  }
.Lfunc_end2:
_tile_overlayer_lowered:
.L_overlay_start_2:
0x83: {  	(tag) =	ssettag $0x2  }
0x84: {  	s0 =	rddreg [dreg:$0x0];
	s2 =	stileid.u32  }
0x85: {  	s1 =	rddreg [dreg:$0x1];
	p0 =	sne.s32 s2, $0x0  }
0x86: {  	s3 =	rddreg [dreg:$0x2];
	[bflag:$0x3] =	sbarrier.arrive $0xFFFF;
	s2 =	simm.s32 @!p0 $0x1C03  }
0x87: {  	[timem:s3], [sflag:s2] =	dma.local @!p0 [hbm:s0], s1  }
0x88: {  	s0 =	simm.s32 @!p0 $0x3  }
0x89: {  	_ =	swait.ge @!p0 [sflag:s0], s1  }
0x8a: {  	s1 =	ssub.s32 @!p0 $0x0, s1;
	[sflag:s0] =	ssyncset.done @!p0 $0x0  }
0x8b: {  	[sflag:s0] =	ssyncadd.s32 @!p0 s1  }
0x8c: {  	[bflag:$0x3] =	sbarrier.arrive $0xFFFF  }
0x8d: {  	_ =	shalt  }

// kernel: kernel.9.cloned.1.call-start
scs
__scs_entry_jumppad:
0x0: {  	(pc) =	sbr.rel $0x88, $3  }
0x1: {  	(tag) =	ssettag $0x0;
	lr =	simm.s32 $0x1  }
0x2: {  	[smem:$0x3F9D] =	sst lr;
	_ =	strace $0xD0000000  }
0x3: {  	_ = 	snop  }
0x4: {  	_ = 	snop  }
0x5: {  	_ = 	snop  }
0x6: {  	_ = 	snop  }
0x7: {  	_ = 	snop  }
__scs_overlays_trampoline_lowered:
0x8: {  	[smem:$0x3FAC] =	sst s0  }
0x9: {  	[smem:$0x3FAD] =	sst s1  }
0xa: {  	[smem:$0x3FAE] =	sst s2  }
0xb: {  	[smem:$0x3FAF] =	sst s3  }
0xc: {  	[smem:$0x3FB0] =	sst s4  }
0xd: {  	[smem:$0x3FB1] =	sst s5  }
0xe: {  	[smem:$0x3FB2] =	sst s6  }
0xf: {  	[smem:$0x3FB3] =	sst s7  }
0x10: {  	[smem:$0x3FB4] =	sst s8  }
0x11: {  	[smem:$0x3FB5] =	sst s9;
	s0 =	simm.s32 @!p0 $0x0  }
0x12: {  	s1 =	sld [smem:$0x3F9B];
	s0 =	simm.s32 @p0 $0x1  }
0x13: {  	[smem:$0x3FB6] =	sst s0;
	s0 =	simm.s32 @!p1 $0x0  }
0x14: {  	s2 =	sld [smem:$0x3F9A];
	s0 =	simm.s32 @p1 $0x1  }
0x15: {  	[smem:$0x3FB7] =	sst s0;
	s0 =	simm.s32 @!p2 $0x0  }
0x16: {  	s3 =	sld [smem:$0x3FDB];
	s0 =	simm.s32 @p2 $0x1  }
0x17: {  	s4 =	simm.s32 $0x1BF5;
	[smem:$0x3FB9] =	sst s0  }
0x18: {  	s0 =	sld [smem:$0x3F9C];
	_ =	swait.ge [sflag:s4], $0x0  }
0x19: {  	s7 =	sld [smem:$0x3F9D]  }
0x1a: {  	s8 =	sadd.s32 $0xFFFFE003, lr  }
0x1b: {  	s9 =	sadd.s32 $0xFFFFFEF7, lr;
	s5 =	simm.s32 $0xFFFFFFFF;
	p2 =	slt.u32 s8, $0xFFFFF086  }
0x1c: {  	p1 =	slt.u32 s9, $0xF7A;
	s5 =	simm.s32 @!p2 $0x0  }
0x1d: {  	s5 =	simm.s32 @p1 $0x1;
	p0 =	seq.s32 s7, s2  }
0x1e: {  	s7 =	smul.u32 @!p0 $0xF7A, s2;
	p2 =	seq.s32 @!p0 s5, $0x0  }
0x1f: {  	s9 =	smul.u32 $0xF7A, s1;
	s8 =	simm.s32 @!p0 $0x1BF5;
	p2 =	por !p2, p0  }
0x20: {  	[sflag:s8] =	ssyncset.s32 @!p0 $0xFFFFF086;
	s6 =	sadd.s32 @!p0 s3, s7;
	s7 =	simm.s32 @!p0 $0x108  }
0x21: {  	s3 =	sadd.s32 s3, s9;
	s6 =	sadd.s32 @!p0 $0x88, s6;
	s7 =	simm.s32 @p2 $0x1082  }
0x22: {  	[simem:s7], [sflag:s8] =	dma.local @!p0 [hbm:s6], $0xF7A  }
0x23: {  	s9 =	sor.u32 $0xD0000000, s2;
	s6 =	simm.s32 $0x108;
	_ =	swait.ge @!p0 [sflag:s8], $0x0  }
0x24: {  	s3 =	sadd.s32 $0x88, s3;
	s6 =	simm.s32 @!p1 $0x1082;
	[sflag:s4] =	ssyncset.s32 $0xFFFFF086  }
0x25: {  	[simem:s6], [sflag:s4] =	dma.local [hbm:s3], $0xF7A  }
0x26: {  	[smem:$0x3F9D] =	sst s1;
	(tag) =	ssettag s2;
	_ =	strace s9  }
0x27: {  	s1 =	sld [smem:$0x3FAD]  }
0x28: {  	s2 =	sld [smem:$0x3FAE]  }
0x29: {  	s4 =	sld [smem:$0x3FB0]  }
0x2a: {  	p0 =	seq.s32 s5, $0x0;
	s5 =	sld [smem:$0x3FB1]  }
0x2b: {  	s6 =	sld [smem:$0x3FB2]  }
0x2c: {  	s7 =	sld [smem:$0x3FB3]  }
0x2d: {  	s3 =	simm.s32 $0x108;
	s8 =	sld [smem:$0x3FB4]  }
0x2e: {  	s3 =	simm.s32 @!p0 $0x1082;
	s9 =	sld [smem:$0x3FB5]  }
0x2f: {  	lr =	sadd.s32 s0, s3;
	s0 =	sld [smem:$0x3FAC]  }
0x30: {  	s3 =	sld [smem:$0x3FAF]  }
0x31: {  	[smem:$0x3FB8] =	sst s10  }
0x32: {  	s10 =	sld [smem:$0x3FB6];
	_ =	sdelay $0x3  }
0x33: {  	p0 =	seq.s32 s10, $0x1;
	s10 =	sld [smem:$0x3FB8];
	_ =	sdelay $0x3  }
0x34: {  	[smem:$0x3FB8] =	sst s10  }
0x35: {  	s10 =	sld [smem:$0x3FB7];
	_ =	sdelay $0x3  }
0x36: {  	p1 =	seq.s32 s10, $0x1;
	s10 =	sld [smem:$0x3FB8];
	_ =	sdelay $0x3  }
0x37: {  	[smem:$0x3FB8] =	sst s10  }
0x38: {  	s10 =	sld [smem:$0x3FB9]  }
0x39: {  	_ = 	snop;
	(pc) =	sbr.ind lr, $3  }
0x3a: {  	_ = 	snop  }
0x3b: {  	_ = 	snop  }
0x3c: {  	p2 =	seq.s32 s10, $0x1;
	s10 =	sld [smem:$0x3FB8]  }
0x3d: {  	_ =	shalt  }
0x3e: {  	_ =	shalt  }
0x3f: {  	_ =	shalt  }
0x40: {  	_ =	shalt  }
0x41: {  	_ =	shalt  }
0x42: {  	_ =	shalt  }
0x43: {  	_ =	shalt  }
0x44: {  	_ =	shalt  }
0x45: {  	_ =	shalt  }
0x46: {  	_ =	shalt  }
0x47: {  	_ =	shalt  }
0x48: {  	_ =	shalt  }
0x49: {  	_ =	shalt  }
0x4a: {  	_ =	shalt  }
0x4b: {  	_ =	shalt  }
0x4c: {  	_ =	shalt  }
0x4d: {  	_ =	shalt  }
0x4e: {  	_ =	shalt  }
0x4f: {  	_ =	shalt  }
0x50: {  	_ =	shalt  }
0x51: {  	_ =	shalt  }
0x52: {  	_ =	shalt  }
0x53: {  	_ =	shalt  }
0x54: {  	_ =	shalt  }
0x55: {  	_ =	shalt  }
0x56: {  	_ =	shalt  }
0x57: {  	_ =	shalt  }
0x58: {  	_ =	shalt  }
0x59: {  	_ =	shalt  }
0x5a: {  	_ =	shalt  }
0x5b: {  	_ =	shalt  }
0x5c: {  	_ =	shalt  }
0x5d: {  	_ =	shalt  }
0x5e: {  	_ =	shalt  }
0x5f: {  	_ =	shalt  }
0x60: {  	_ =	shalt  }
0x61: {  	_ =	shalt  }
0x62: {  	_ =	shalt  }
0x63: {  	_ =	shalt  }
0x64: {  	_ =	shalt  }
0x65: {  	_ =	shalt  }
0x66: {  	_ =	shalt  }
0x67: {  	_ =	shalt  }
0x68: {  	_ =	shalt  }
0x69: {  	_ =	shalt  }
0x6a: {  	_ =	shalt  }
0x6b: {  	_ =	shalt  }
0x6c: {  	_ =	shalt  }
0x6d: {  	_ =	shalt  }
0x6e: {  	_ =	shalt  }
0x6f: {  	_ =	shalt  }
0x70: {  	_ =	shalt  }
0x71: {  	_ =	shalt  }
0x72: {  	_ =	shalt  }
0x73: {  	_ =	shalt  }
0x74: {  	_ =	shalt  }
0x75: {  	_ =	shalt  }
0x76: {  	_ =	shalt  }
0x77: {  	_ =	shalt  }
0x78: {  	_ =	shalt  }
0x79: {  	_ =	shalt  }
0x7a: {  	_ =	shalt  }
0x7b: {  	_ =	shalt  }
0x7c: {  	_ =	shalt  }
0x7d: {  	_ =	shalt  }
0x7e: {  	_ =	shalt  }
0x7f: {  	_ =	shalt  }
0x80: {  	_ =	shalt  }
0x81: {  	_ =	shalt  }
0x82: {  	_ =	shalt  }
0x83: {  	_ =	shalt  }
0x84: {  	_ =	shalt  }
0x85: {  	_ =	shalt  }
0x86: {  	_ =	shalt  }
0x87: {  	_ =	shalt  }
.Lfunc_end0:
.L_simem_size_0:
called_computation.1_lowered:
.L_overlay_start_0:
0x88: {  	s2 =	sld [smem:$0x3FD9]  }
0x89: {  	s3 =	sld [smem:$0x3FFE];
	_ =	sdelay $0x1  }
0x8a: {  	s1 =	srdreg.scid  }
0x8b: {  	s0 =	sand.u32 $0x1, s1  }
0x8c: {  	s17 =	sshll.u32 s0, $0xA;
	s2 =	sadd.s32 s3, s2  }
0x8d: {  	s2 =	sadd.s32 s2, s17  }
0x8e: {  	[smem:$0x3FC4] =	sst s2  }
0x8f: {  	_ = 	snop  }
0x90: {  	s2 =	sld [smem:$0x3FD0];
	(tm) =	ssettm $0x1  }
0x91: {  	s18 =	sld [smem:$0x3FFB];
	_ =	sdelay $0x3  }
0x92: {  	_ =	strace s18  }
0x93: {  	s3 =	sld [smem:$0x3FFC];
	_ =	sdelay $0x3  }
0x94: {  	_ =	strace s3  }
0x95: {  	s3 =	sld [smem:$0x3FFD];
	_ =	sdelay $0x3  }
0x96: {  	_ =	strace s3  }
0x97: {  	_ =	strace $0x8FFFFFFF  }
0x98: {  	s19 =	sld [smem:$0x3FDB];
	_ =	sdelay $0x1  }
0x99: {  	s4 =	simm.s32 $_scs_section_size  }
0x9a: {  	s5 =	simm.s32 $_size__tile_overlayer_lowered;
	s6 =	simm.s32 $_tile_overlayer_lowered  }
0x9b: {  	s22 =	simm.s32 $0x1BFF;
	s21 =	sshll.u32 s6, $0x1;
	s3 =	sadd.s32 s4, s19  }
0x9c: {  	s7 =	simm.s32 $0x0;
	s20 =	sshll.u32 s5, $0x1;
	s5 =	sadd.s32 s21, s3  }
0x9d: {  	[timem:s7], [sflag:s22] =	dma.local [hbm:s5], s20  }
0x9e: {  	_ =	swait.ge [sflag:s22], s20  }
0x9f: {  	s4 =	ssub.s32 $0x0, s20;
	[sflag:s22] =	ssyncset.done $0x0  }
0xa0: {  	[sflag:s22] =	ssyncadd.s32 s4;
	_ =	sdelay $0x1  }
0xa1: {  	s23 =	simm.s32 $0x1B8B  }
0xa2: {  	_ =	swait.ge [sflag:s23], $0x1  }
0xa3: {  	[sflag:s23] =	ssyncset.done $0x0  }
0xa4: {  	s25 =	simm.s32 $0x1B8E;
	s24 =	sld [smem:$0x3FFE];
	[sflag:s23] =	ssyncadd.s32 $0xFFFFFFFF  }
0xa5: {  	s26 =	simm.s32 $execute0_lowered;
	[smem:$0x3FD2] =	sst s25  }
0xa6: {  	s5 =	sshll.u32 s26, $0x1;
	_ =	strace $0x80000049;
	[dreg:$0x1] =	wrdreg $0xFFFFFFFF  }
0xa7: {  	s28 =	simm.s32 $_size_execute0_lowered;
	s3 =	sadd.s32 s3, s5;
	[dreg:$0x0] =	wrdreg $0x0  }
0xa8: {  	s5 =	sshll.u32 s28, $0x1;
	[dreg:$0x2] =	wrdreg s3  }
0xa9: {  	[dreg:$0x3] =	wrdreg s5  }
0xaa: {  	[dreg:$0x4] =	wrdreg $0xC0  }
0xab: {  	_ =	task [dreg:s7], $0x5FFFF  }
0xac: {  	[dreg:$0x1] =	wrdreg $0xFFFFFFFF  }
0xad: {  	[dreg:$0x0] =	wrdreg $0x60  }
0xae: {  	[dreg:$0x2] =	wrdreg s2  }
0xaf: {  	[dreg:$0x3] =	wrdreg s24  }
0xb0: {  	[dreg:$0x4] =	wrdreg $0x78800  }
0xb1: {  	[dreg:$0x5] =	wrdreg $0x9  }
0xb2: {  	_ =	task.clear_ibuf [dreg:s7], $0x6FFFF;
	_ =	strace $0x90000049  }
0xb3: {  	s29 =	simm.s32 $0x9;
	_ =	strace $0x8000004B  }
0xb4: {  	_ =	swait.ge [sflag:s29], $0x1  }
0xb5: {  	[sflag:s29] =	ssyncadd.s32 $0xFFFFFFFF  }
0xb6: {  	_ =	strace $0x9000004B  }
0xb7: {  	_ =	sfence  }
0xb8: {  	s30 =	sld [smem:$0x0];
	_ =	sdelay $0x2  }
0xb9: {  	s31 =	sshll.u32 s1, $0xD;
	s1 =	sshrl.u32 s1, $0x2  }
0xba: {  	s3 =	sand.u32 $0x4000, s31;
	s1 =	sadd.s32 s1, s30  }
0xbb: {  	s0 =	sor.u32 s3, s0;
	s1 =	sshll.u32 s1, $0x11  }
0xbc: {  	s0 =	sor.u32 s1, s0  }
0xbd: {  	s0 =	sadd.s32 $0x8F2B, s0  }
0xbe: {  	[sflag:s0] =	ssyncadd.remote.s32 $0x1  }
0xbf: {  	_ =	sfence.sel $0xFFFF  }
0xc0: {  	[dreg:$0x0] =	wrdreg $0xFFFFFFFF;
	(pc) =	sbr.abs _section_cstart, $3  }
0xc1: {  	[dreg:$0x1] =	wrdreg $0xFFFFFFFF  }
0xc2: {  	_ =	task.clear_ibuf [dreg:s7], $0x2FFFF;
	_ =	strace $0x9FFFFFFF  }
0xc3: {  	(tm) =	ssettm $0x7FFFFFFF  }
tec
execute0_lowered:
.L_overlay_start_1:
0x0: {  	(tag) =	ssettag $0x1  }
0x1: {  	s1 =	rddreg [dreg:$0x0]  }
0x2: {  	s0 =	srdreg.scid;
	s6 =	rddreg [dreg:$0x1]  }
0x3: {  	s11 =	stileid.u32;
	s3 =	rddreg [dreg:$0x2];
	s4 =	simm.s32 $0x0  }
0x4: {  	s28 =	simm.s32 $0x3;
	s29 =	simm.s32 $0x1;
	s30 =	simm.s32 $0x4  }
0x5: {  	s31 =	simm.s32 $0x2;
	s0 =	sand.u32 $0x1, s0;
	s7 =	smul.u32 $0x2800, s11  }
0x6: {  	s2 =	sshll.u32 s11, $0x1;
	[smem:$0x7FF] =	sst s4;
	s9 =	smul.u32 $0x50000, s11  }
0x7: {  	s5 =	sadd.s32 $0xB000, s6;
	s10 =	sadd.s32 $0x14E00, s6;
	s21 =	smul.u32 $0x4E20, s11  }
0x8: {  	s2 =	sor.u32 s0, s2;
	s8 =	smul.u32 $0x28000, s0;
	_ =	strace $0x8000004A  }
0x9: {  	[dreg:$0x4] =	wrdreg s10;
	s19 =	ssub.s32 $0x2, s0;
	s0 =	smul.u32 $0x2710, s0  }
0xa: {  	s2 =	smul.u32 $0x2710, s2;
	s9 =	sshrl.u32 s9, $0x2;
	s20 =	sshrl.u32 s19, $0x1  }
0xb: {  	s7 =	sadd.s32 s7, s8;
	s8 =	ssub.s32 s19, s20;
	s0 =	sadd.s32 s0, s21  }
0xc: {  	s21 =	simm.s32 $0x2880;
	s2 =	sshrl.u32 s2, $0x3;
	s25 =	sadd.s32 $0x50, s0  }
0xd: {  	s18 =	smax.u32 s8, $0x1;
	s19 =	sadd.s32 $0xA0, s0;
	s15 =	sadd.s32 s2, s6  }
0xe: {  	s6 =	sadd.s32 s7, s6;
	s7 =	sadd.s32 s9, s3;
	s16 =	sadd.s32 s5, s2  }
0xf: {  	s26 =	sshrl.u32 s25, $0x3;
	s25 =	simm.s32 $0x2800;
	s2 =	simm.s32 $0x0  }
0x10: {  	s9 =	sadd.s32 $0x2800, s7;
	s22 =	sadd.s32 $0x5000, s7;
	s23 =	sadd.s32 $0x7800, s7  }
0x11: {  	s24 =	sadd.s32 $0xA000, s7;
	s12 =	sadd.s32 $0xC800, s7;
	[dreg:$0x5] =	wrdreg s9  }
0x12: {  	s13 =	sadd.s32 $0xF000, s7;
	s14 =	sadd.s32 $0x11800, s7;
	[dreg:$0x6] =	wrdreg s22  }
0x13: {  	s15 =	sadd.s32 $0x1200, s15;
	s17 =	sadd.s32 $0x15400, s6;
	[dreg:$0x7] =	wrdreg s23  }
0x14: {  	s20 =	sadd.s32 s26, s5;
	s26 =	simm.s32 $0x5080;
	[dreg:$0x8] =	wrdreg s24  }
0x15: {  	s22 =	simm.s32 $0x5;
	s23 =	simm.s32 $0x2780;
	s24 =	simm.s32 $0x50  }
.LBB2_1:
0x16: {  	s0 =	rddreg [dreg:$0x4]  }
0x17: {  	[tilespmem:s21], [sflag:$0x5] =	stream.linear.gather [hbm4b:s0+s4], $0x2800, $0x38;
	[tilespmem:$0x1B880] =	vst v63  }
0x18: {  	_ =	swait.ge [sflag:s22], $0x2800  }
0x19: {  	[sflag:s22] =	ssyncset.done $0x0  }
0x1a: {  	[sflag:s22] =	ssyncadd.s32 $0xFFFFD800  }
0x1b: {  	[spmem:s7] =	stream.linear.scatter [tilespmem:s21], [sflag:$0x5], $0x2800, $0x38;
	[tilespmem:$0x1B880] =	vst v63  }
0x1c: {  	_ =	swait.ge [sflag:s22], $0x2800  }
0x1d: {  	[sflag:s22] =	ssyncset.done $0x0  }
0x1e: {  	s9 =	rddreg [dreg:$0x5];
	[sflag:s22] =	ssyncadd.s32 $0xFFFFD800  }
0x1f: {  	[spmem:s9] =	stream.linear.scatter [tilespmem:s21], [sflag:$0x5], $0x2800, $0x38;
	[tilespmem:$0x1B880] =	vst v63  }
0x20: {  	_ =	swait.ge [sflag:s22], $0x2800  }
0x21: {  	[sflag:s22] =	ssyncset.done $0x0  }
0x22: {  	s10 =	rddreg [dreg:$0x6];
	[sflag:s22] =	ssyncadd.s32 $0xFFFFD800  }
0x23: {  	[spmem:s10] =	stream.linear.scatter [tilespmem:s21], [sflag:$0x5], $0x2800, $0x38;
	[tilespmem:$0x1B880] =	vst v63  }
0x24: {  	_ =	swait.ge [sflag:s22], $0x2800  }
0x25: {  	[sflag:s22] =	ssyncset.done $0x0  }
0x26: {  	s11 =	rddreg [dreg:$0x7];
	[sflag:s22] =	ssyncadd.s32 $0xFFFFD800  }
0x27: {  	[spmem:s11] =	stream.linear.scatter [tilespmem:s21], [sflag:$0x5], $0x2800, $0x38;
	[tilespmem:$0x1B880] =	vst v63  }
0x28: {  	_ =	swait.ge [sflag:s22], $0x2800  }
0x29: {  	[sflag:s22] =	ssyncset.done $0x0  }
0x2a: {  	s6 =	rddreg [dreg:$0x8];
	[sflag:s22] =	ssyncadd.s32 $0xFFFFD800  }
0x2b: {  	[spmem:s6] =	stream.linear.scatter [tilespmem:s21], [sflag:$0x5], $0x2800, $0x38;
	[tilespmem:$0x1B880] =	vst v63  }
0x2c: {  	_ =	swait.ge [sflag:s22], $0x2800  }
0x2d: {  	[sflag:s22] =	ssyncset.done $0x0  }
0x2e: {  	[sflag:s22] =	ssyncadd.s32 $0xFFFFD800  }
0x2f: {  	[spmem:s12] =	stream.linear.scatter [tilespmem:s21], [sflag:$0x5], $0x2800, $0x38;
	[tilespmem:$0x1B880] =	vst v63  }
0x30: {  	_ =	swait.ge [sflag:s22], $0x2800  }
0x31: {  	[sflag:s22] =	ssyncset.done $0x0  }
0x32: {  	[sflag:s22] =	ssyncadd.s32 $0xFFFFD800  }
0x33: {  	[spmem:s13] =	stream.linear.scatter [tilespmem:s21], [sflag:$0x5], $0x2800, $0x38;
	[tilespmem:$0x1B880] =	vst v63  }
0x34: {  	_ =	swait.ge [sflag:s22], $0x2800  }
0x35: {  	[sflag:s22] =	ssyncset.done $0x0  }
0x36: {  	[sflag:s22] =	ssyncadd.s32 $0xFFFFD800  }
0x37: {  	[spmem:s14] =	stream.linear.scatter [tilespmem:s21], [sflag:$0x5], $0x2800, $0x38;
	[tilespmem:$0x1B880] =	vst v63  }
0x38: {  	_ =	swait.ge [sflag:s22], $0x2800  }
0x39: {  	[sflag:s22] =	ssyncset.done $0x0  }
0x3a: {  	[sflag:s22] =	ssyncadd.s32 $0xFFFFD800  }
0x3b: {  	[tilespmem:s4], [sflag:$0x5] =	stream.linear.gather [hbm4b:s15+s4], $0x2710, $0x38;
	[tilespmem:$0x1B880] =	vst v63  }
0x3c: {  	_ =	swait.ge [sflag:s22], $0x2710  }
0x3d: {  	[sflag:s22] =	ssyncset.done $0x0  }
0x3e: {  	[sflag:s22] =	ssyncadd.s32 $0xFFFFD8F0  }
0x3f: {  	[bflag:$0x0] =	sbarrier.arrive $0xFFFF  }
0x40: {  	[tilespmem:s23], [sflag:$0x1] =	stream.linear.gather [hbm4b:s16+s4], $0x50, $0x38;
	[tilespmem:$0x1B880] =	vst v63  }
0x41: {  	_ = 	snop  }
0x42: {  	[tilespmem:s21], [sflag:$0x3] =	stream.indirect.gather [hbm4b:s1+s24], $0x80, s4, s24, $0xb8;
	[tilespmem:$0x1B880] =	vst v63  }
0x43: {  	s8 =	sadd.s32 $0x0, s20  }
0x44: {  	[tilespmem:s25], [sflag:$0x2] =	stream.linear.gather [hbm4b:s8+s4], $0x50, $0x38;
	[tilespmem:$0x1B880] =	vst v63  }
0x45: {  	s9 =	simm.s32 $0x50  }
0x46: {  	[tilespmem:s26], [sflag:$0x4] =	stream.indirect.gather [hbm4b:s1+s24], $0x80, s9, s24, $0xb8;
	[tilespmem:$0x1B880] =	vst v63  }
0x47: {  	_ =	swait.ge [sflag:s28], $0x2800  }
0x48: {  	[sflag:s28] =	ssyncset.done $0x0  }
0x49: {  	[sflag:s28] =	ssyncadd.s32 $0xFFFFD800  }
0x4a: {  	_ =	swait.ge [sflag:s29], $0x50  }
0x4b: {  	[sflag:s29] =	ssyncset.done $0x0  }
0x4c: {  	[sflag:s29] =	ssyncadd.s32 $0xFFFFFFB0  }
0x4d: {  	[spmem:s3] =	stream.indirect.scatter.add.f32 [tilespmem:s21], [sflag:$0x5], $0x80, s23, s24, $0xb8;
	[tilespmem:$0x1B880] =	vst v63  }
0x4e: {  	_ =	swait.ge [sflag:s22], $0x2800  }
0x4f: {  	s10 =	sshrl.u32 s19, $0x3;
	[sflag:s22] =	ssyncset.done $0x0  }
0x50: {  	s0 =	sadd.s32 s5, s10;
	[sflag:s22] =	ssyncadd.s32 $0xFFFFD800  }
0x51: {  	[tilespmem:s23], [sflag:$0x1] =	stream.linear.gather [hbm4b:s0+s4], $0x50, $0x38;
	[tilespmem:$0x1B880] =	vst v63  }
0x52: {  	s11 =	simm.s32 $0xA0  }
0x53: {  	[tilespmem:s21], [sflag:$0x3] =	stream.indirect.gather [hbm4b:s1+s24], $0x80, s11, s24, $0xb8;
	[tilespmem:$0x1B880] =	vst v63  }
0x54: {  	_ =	swait.ge [sflag:s30], $0x2800  }
0x55: {  	[sflag:s30] =	ssyncset.done $0x0  }
0x56: {  	[sflag:s30] =	ssyncadd.s32 $0xFFFFD800  }
0x57: {  	_ =	swait.ge [sflag:s31], $0x50  }
0x58: {  	[sflag:s31] =	ssyncset.done $0x0  }
0x59: {  	[sflag:s31] =	ssyncadd.s32 $0xFFFFFFB0  }
0x5a: {  	[spmem:s3] =	stream.indirect.scatter.add.f32 [tilespmem:s26], [sflag:$0x5], $0x80, s25, s24, $0xb8;
	[tilespmem:$0x1B880] =	vst v63  }
0x5b: {  	s6 =	sadd.s32 $0xA0, s19;
	s8 =	simm.s32 $0x14;
	_ =	swait.ge [sflag:s22], $0x2800  }
0x5c: {  	s9 =	simm.s32 $0x28;
	s0 =	simm.s32 $0x140;
	[sflag:s22] =	ssyncset.done $0x0  }
.LBB2_2:
0x5d: {  	s10 =	sadd.s32 s8, s20  }
0x5e: {  	[sflag:s22] =	ssyncadd.s32 $0xFFFFD800;
	s8 =	smov.u32 s9;
	s11 =	sadd.s32 $0x14, s9  }
0x5f: {  	[tilespmem:s25], [sflag:$0x2] =	stream.linear.gather [hbm4b:s10+s4], $0x50, $0x38;
	[tilespmem:$0x1B880] =	vst v63  }
0x60: {  	p0 =	sne.s32 s9, $0x4C4;
	s9 =	sadd.s32 $0xFFFFFFB0, s0  }
0x61: {  	[tilespmem:s26], [sflag:$0x4] =	stream.indirect.gather [hbm4b:s1+s24], $0x80, s9, s24, $0xb8;
	[tilespmem:$0x1B880] =	vst v63  }
0x62: {  	_ =	swait.ge [sflag:s28], $0x2800  }
0x63: {  	[sflag:s28] =	ssyncset.done $0x0  }
0x64: {  	[sflag:s28] =	ssyncadd.s32 $0xFFFFD800  }
0x65: {  	_ =	swait.ge [sflag:s29], $0x50  }
0x66: {  	[sflag:s29] =	ssyncset.done $0x0  }
0x67: {  	[sflag:s29] =	ssyncadd.s32 $0xFFFFFFB0  }
0x68: {  	[spmem:s3] =	stream.indirect.scatter.add.f32 [tilespmem:s21], [sflag:$0x5], $0x80, s23, s24, $0xb8;
	[tilespmem:$0x1B880] =	vst v63  }
0x69: {  	_ =	swait.ge [sflag:s22], $0x2800  }
0x6a: {  	s9 =	sshrl.u32 s6, $0x3;
	[sflag:s22] =	ssyncset.done $0x0  }
0x6b: {  	s9 =	sadd.s32 s5, s9;
	[sflag:s22] =	ssyncadd.s32 $0xFFFFD800  }
0x6c: {  	[tilespmem:s23], [sflag:$0x1] =	stream.linear.gather [hbm4b:s9+s4], $0x50, $0x38;
	[tilespmem:$0x1B880] =	vst v63  }
0x6d: {  	_ = 	snop  }
0x6e: {  	[tilespmem:s21], [sflag:$0x3] =	stream.indirect.gather [hbm4b:s1+s24], $0x80, s0, s24, $0xb8;
	[tilespmem:$0x1B880] =	vst v63  }
0x6f: {  	_ =	swait.ge [sflag:s30], $0x2800  }
0x70: {  	[sflag:s30] =	ssyncset.done $0x0  }
0x71: {  	[sflag:s30] =	ssyncadd.s32 $0xFFFFD800  }
0x72: {  	_ =	swait.ge [sflag:s31], $0x50  }
.Ltmp0:
0x73: {  	[sflag:s31] =	ssyncset.done $0x0;
	(pc) =	sbr.rel @p0 .LBB2_2-.Ltmp0, $4  }
0x74: {  	[sflag:s31] =	ssyncadd.s32 $0xFFFFFFB0  }
0x75: {  	[spmem:s3] =	stream.indirect.scatter.add.f32 [tilespmem:s26], [sflag:$0x5], $0x80, s25, s24, $0xb8;
	[tilespmem:$0x1B880] =	vst v63  }
0x76: {  	s6 =	sadd.s32 $0xA0, s6;
	_ =	swait.ge [sflag:s22], $0x2800  }
0x77: {  	s9 =	smov.u32 s11;
	s0 =	sadd.s32 $0xA0, s0;
	[sflag:s22] =	ssyncset.done $0x0  }
0x78: {  	s8 =	sadd.s32 s8, s20;
	[sflag:s22] =	ssyncadd.s32 $0xFFFFD800  }
0x79: {  	[tilespmem:s25], [sflag:$0x2] =	stream.linear.gather [hbm4b:s8+s4], $0x50, $0x38;
	[tilespmem:$0x1B880] =	vst v63  }
0x7a: {  	s9 =	sadd.s32 $0xFFFFFFB0, s0  }
0x7b: {  	[tilespmem:s26], [sflag:$0x4] =	stream.indirect.gather [hbm4b:s1+s24], $0x80, s9, s24, $0xb8;
	[tilespmem:$0x1B880] =	vst v63  }
0x7c: {  	_ =	swait.ge [sflag:s28], $0x2800  }
0x7d: {  	[sflag:s28] =	ssyncset.done $0x0  }
0x7e: {  	[sflag:s28] =	ssyncadd.s32 $0xFFFFD800  }
0x7f: {  	_ =	swait.ge [sflag:s29], $0x50  }
0x80: {  	[sflag:s29] =	ssyncset.done $0x0  }
0x81: {  	[sflag:s29] =	ssyncadd.s32 $0xFFFFFFB0  }
0x82: {  	[spmem:s3] =	stream.indirect.scatter.add.f32 [tilespmem:s21], [sflag:$0x5], $0x80, s23, s24, $0xb8;
	[tilespmem:$0x1B880] =	vst v63  }
0x83: {  	_ =	swait.ge [sflag:s22], $0x2800  }
0x84: {  	s6 =	sshrl.u32 s6, $0x3;
	[sflag:s22] =	ssyncset.done $0x0  }
0x85: {  	s6 =	sadd.s32 s5, s6;
	[sflag:s22] =	ssyncadd.s32 $0xFFFFD800  }
0x86: {  	[tilespmem:s23], [sflag:$0x1] =	stream.linear.gather [hbm4b:s6+s4], $0x50, $0x38;
	[tilespmem:$0x1B880] =	vst v63  }
0x87: {  	_ = 	snop  }
0x88: {  	[tilespmem:s21], [sflag:$0x3] =	stream.indirect.gather [hbm4b:s1+s24], $0x80, s0, s24, $0xb8;
	[tilespmem:$0x1B880] =	vst v63  }
0x89: {  	_ =	swait.ge [sflag:s30], $0x2800  }
0x8a: {  	[sflag:s30] =	ssyncset.done $0x0  }
0x8b: {  	[sflag:s30] =	ssyncadd.s32 $0xFFFFD800  }
0x8c: {  	_ =	swait.ge [sflag:s31], $0x50  }
0x8d: {  	[sflag:s31] =	ssyncset.done $0x0  }
0x8e: {  	[sflag:s31] =	ssyncadd.s32 $0xFFFFFFB0  }
0x8f: {  	[spmem:s3] =	stream.indirect.scatter.add.f32 [tilespmem:s26], [sflag:$0x5], $0x80, s25, s24, $0xb8;
	[tilespmem:$0x1B880] =	vst v63  }
0x90: {  	_ =	swait.ge [sflag:s22], $0x2800  }
0x91: {  	[sflag:s22] =	ssyncset.done $0x0  }
0x92: {  	[sflag:s22] =	ssyncadd.s32 $0xFFFFD800  }
0x93: {  	_ =	swait.ge [sflag:s28], $0x2800  }
0x94: {  	[sflag:s28] =	ssyncset.done $0x0  }
0x95: {  	[sflag:s28] =	ssyncadd.s32 $0xFFFFD800  }
0x96: {  	_ =	swait.ge [sflag:s29], $0x50  }
0x97: {  	[sflag:s29] =	ssyncset.done $0x0  }
0x98: {  	[sflag:s29] =	ssyncadd.s32 $0xFFFFFFB0  }
0x99: {  	[spmem:s3] =	stream.indirect.scatter.add.f32 [tilespmem:s21], [sflag:$0x5], $0x80, s23, s24, $0xb8;
	[tilespmem:$0x1B880] =	vst v63  }
0x9a: {  	s10 =	stileid.u32;
	_ =	swait.ge [sflag:s22], $0x2800  }
0x9b: {  	s11 =	sshrl.u32 s7, $0x3;
	s2 =	sadd.s32 $0x1, s2;
	[sflag:s22] =	ssyncset.done $0x0  }
0x9c: {  	p0 =	sne.s32 s2, s18;
	s0 =	sshll.u32 s10, $0x6;
	[sflag:s22] =	ssyncadd.s32 $0xFFFFD800  }
.Ltmp1:
0x9d: {  	s0 =	sor.u32 $0x1C05, s0;
	[bflag:$0x0] =	sbarrier.arrive $0xFFFF;
	(pc) =	sbr.rel @p0 .LBB2_1-.Ltmp1, $4  }
0x9e: {  	[hbm:s17], [sflag:s0] =	dma.local [spmem:s11], $0x2800  }
0x9f: {  	_ =	swait.ge [sflag:s22], $0x2800  }
0xa0: {  	[sflag:s22] =	ssyncset.done $0x0  }
0xa1: {  	[sflag:s22] =	ssyncadd.s32 $0xFFFFD800  }
0xa2: {  	_ =	sfence.sel $0x180000  }
0xa3: {  	[bflag:$0x0] =	sbarrier.arrive $0xFFFF  }
0xa4: {  	_ =	strace $0x9000004A  }
0xa5: {  	s0 =	stileid.u32;
	[bflag:$0x2] =	sbarrier.arrive $0xFFFF  }
0xa6: {  	p0 =	sne.s32 s0, $0x0;
	s0 =	rddreg [dreg:$0x3]  }
0xa7: {  	s0 =	sadd.s32 @!p0 $0x100000, s0  }
0xa8: {  	[sflag:s0] =	ssyncadd.tile.s32 @!p0 $0x1;
	_ =	shalt  }
.Lfunc_end2:
_tile_overlayer_lowered:
.L_overlay_start_2:
0xa9: {  	(tag) =	ssettag $0x2  }
0xaa: {  	s0 =	rddreg [dreg:$0x0];
	s2 =	stileid.u32  }
0xab: {  	s1 =	rddreg [dreg:$0x1];
	p0 =	sne.s32 s2, $0x0  }
0xac: {  	s3 =	rddreg [dreg:$0x2];
	[bflag:$0x3] =	sbarrier.arrive $0xFFFF;
	s2 =	simm.s32 @!p0 $0x1C05  }
0xad: {  	[timem:s3], [sflag:s2] =	dma.local @!p0 [hbm:s0], s1  }
0xae: {  	s0 =	simm.s32 @!p0 $0x5  }
0xaf: {  	_ =	swait.ge @!p0 [sflag:s0], s1  }
0xb0: {  	s1 =	ssub.s32 @!p0 $0x0, s1;
	[sflag:s0] =	ssyncset.done @!p0 $0x0  }
0xb1: {  	[sflag:s0] =	ssyncadd.s32 @!p0 s1  }
0xb2: {  	[bflag:$0x3] =	sbarrier.arrive $0xFFFF  }
0xb3: {  	_ =	shalt  }

</sc_bundles>
